<compile_context>
chip_gen: v7x
topology: tpu7x:2x2x1
jax: 0.10.2.dev20260603
libtpu: 0.0.44.dev20260713+nightly
codegen_flags: <defaults>
</compile_context>

<pallas_src>
import functools

import jax
import jax.numpy as jnp
from jax import lax
from jax.experimental import pallas as pl
from jax.experimental.pallas import tpu as pltpu
from jax.experimental.pallas import tpu_sc as plsc

_SC_ROWS = 32
_TC_BLOCK_ROWS = 32
_NCHUNKS = 8


def _tc_kernel(x_ref, t_ref, acc1_ref, acc5_ref, *, scale, nchunks):
    i = pl.program_id(0)
    r, n = x_ref.shape
    cw = n // nchunks
    t = t_ref[pl.ds(i * r, r), :]
    maxes = []
    for c in range(nchunks):
        xc = x_ref[:, c * cw:(c + 1) * cw]
        colc = lax.broadcasted_iota(jnp.int32, (r, cw), 1) + c * cw
        maxes.append(jnp.max(jnp.where(colc == t, xc, -jnp.inf),
                             axis=1, keepdims=True))
    vt = functools.reduce(jnp.maximum, maxes)
    cnts = []
    for c in range(nchunks):
        xc = x_ref[:, c * cw:(c + 1) * cw]
        colc = lax.broadcasted_iota(jnp.int32, (r, cw), 1) + c * cw
        pred = (xc > vt) | ((xc == vt) & (colc < t))
        cnts.append(jnp.sum(pred.astype(jnp.float32), axis=1, keepdims=True))
    rank = functools.reduce(jnp.add, cnts)
    a1 = jnp.sum((rank < 1.0).astype(jnp.float32)).reshape(1, 1) * scale
    a5 = jnp.sum((rank < 5.0).astype(jnp.float32)).reshape(1, 1) * scale

    @pl.when(i == 0)
    def _init():
        acc1_ref[...] = a1
        acc5_ref[...] = a5

    @pl.when(i != 0)
    def _accum():
        acc1_ref[...] += a1
        acc5_ref[...] += a5


def _make_sc_kernel(b, n, sc_rows, row_base):
    info = plsc.get_sparse_core_info()
    nc, ns, nl = info.num_cores, info.num_subcores, info.num_lanes
    nvec = n // nl
    unroll = 8

    @functools.partial(
        pl.kernel,
        mesh=plsc.VectorSubcoreMesh(core_axis_name="c", subcore_axis_name="s"),
        out_type=jax.ShapeDtypeStruct((sc_rows, nl), jnp.float32),
        scratch_types=[
            pltpu.VMEM((n,), jnp.float32),
            pltpu.VMEM((nl,), jnp.int32),
            pltpu.VMEM((nl,), jnp.float32),
            pltpu.VMEM((2 * nl,), jnp.float32),
        ],
    )
    def sc_count(x_hbm, t_hbm, out_hbm, xrow_v, t_v, res_v, pad_v):
        wid = lax.axis_index("s") * nc + lax.axis_index("c")

        @pl.when(wid < sc_rows)
        def _():
            row = row_base + wid
            pltpu.sync_copy(x_hbm.at[row], xrow_v)
            pltpu.sync_copy(t_hbm.at[wid], t_v)
            tsplat = t_v[...]
            iota = lax.iota(jnp.int32, nl)
            t_scalar = tsplat[0]
            lane = t_scalar % nl
            win = xrow_v[pl.ds(t_scalar - lane, nl)]
            pad_v[pl.ds(0, nl)] = win
            pad_v[pl.ds(nl, nl)] = win
            vt_scalar = pad_v[pl.ds(lane, nl)][0]
            vt = jnp.full((nl,), vt_scalar, jnp.float32)
            one = jnp.full((nl,), 1.0, jnp.float32)
            zero = jnp.full((nl,), 0.0, jnp.float32)

            def body(k, acc):
                base = k * (nl * unroll)
                for u in range(unroll):
                    xv = xrow_v[pl.ds(base + u * nl, nl)]
                    col = iota + (base + u * nl)
                    pred = (xv > vt) | ((xv == vt) & (col < tsplat))
                    acc = acc + jnp.where(pred, one, zero)
                return acc

            acc = lax.fori_loop(0, nvec // unroll, body, zero)
            rank = acc[0]
            for lane in range(1, nl):
                rank = rank + acc[lane]
            res_v[...] = jnp.full((nl,), rank, jnp.float32)
            pltpu.sync_copy(res_v, out_hbm.at[wid])

    return sc_count


@jax.jit
def kernel(outputs, targets):
    b, n = outputs.shape
    scale = 100.0 / b
    tc_rows = b - _SC_ROWS
    r = _TC_BLOCK_ROWS
    t2 = targets.astype(jnp.int32)
    t2d = t2.reshape(b, 1)
    body = functools.partial(_tc_kernel, scale=scale, nchunks=_NCHUNKS)
    a1, a5 = pl.pallas_call(
        body,
        grid=(tc_rows // r,),
        in_specs=[
            pl.BlockSpec((r, n), lambda i: (i, 0)),
            pl.BlockSpec((b, 1), lambda i: (0, 0)),
        ],
        out_specs=[
            pl.BlockSpec((1, 1), lambda i: (0, 0)),
            pl.BlockSpec((1, 1), lambda i: (0, 0)),
        ],
        out_shape=[
            jax.ShapeDtypeStruct((1, 1), jnp.float32),
            jax.ShapeDtypeStruct((1, 1), jnp.float32),
        ],
    )(outputs, t2d)

    sc_count = _make_sc_kernel(b, n, _SC_ROWS, tc_rows)
    sc_t = jnp.broadcast_to(t2[tc_rows:, None], (_SC_ROWS, 16))
    sc_ranks = sc_count(outputs, sc_t)[:, 0]
    sc1 = jnp.sum((sc_ranks < 1.0).astype(jnp.float32)) * scale
    sc5 = jnp.sum((sc_ranks < 5.0).astype(jnp.float32)) * scale
    out1 = a1.reshape(1) + sc1
    out5 = a5.reshape(1) + sc5
    return (out1, out5)

# --- scband reference (transcript-rebuilt; emitter-appended) ---
"""Pipeline reference for scband-top-kaccuracy-27891517620541 (READ-ONLY COPY).

The authoritative reference and input builder live on the scoring server;
editing this copy changes nothing except your own understanding.
"""

import jax, jax.numpy as jnp
import numpy as np

TOPK = (1, 5)

def setup_inputs(seed: int = 0) -> dict:
    key = jax.random.key(seed)
    k1, k2 = jax.random.split(key)
    outputs = jax.random.normal(k1, (128, 32768), dtype=jnp.float32)
    targets = jax.random.randint(k2, (128,), 0, 32768)
    return {"outputs": outputs, "targets": targets}

def reference(outputs, targets):
    maxk = max(TOPK)
    batch_size = targets.shape[0]
    # topk along dim 1, largest=True, sorted=True
    _, pred = jax.lax.top_k(outputs, maxk)  # [B, maxk], sorted descending
    pred = pred.T  # [maxk, B]
    correct = (pred == targets[None, :])  # [maxk, B]
    res = []
    for k in TOPK:
        correct_k = correct[:k].reshape(-1).astype(jnp.float32).sum(keepdims=True)
        res.append(correct_k * (100.0 / batch_size))
    return tuple(res)

if __name__ == "__main__":
    import jax
    _d = setup_inputs()
    print(jax.jit(kernel)(*tuple(_d.values())))

</pallas_src>

<mosaic_0001>
#map = affine_map<(d0, d1) -> (0, 0)>
module attributes {stable_mosaic.version = 14 : i64} {
  func.func @sc_count(%arg0: i32, %arg1: i32, %arg2: memref<128x32768xf32, #tpu.memory_space<hbm>>, %arg3: memref<32x16xi32, #tpu.memory_space<hbm>>, %arg4: memref<32x16xf32, #tpu.memory_space<hbm>>, %arg5: memref<32768xf32, #tpu.memory_space<vmem>>, %arg6: memref<16xi32, #tpu.memory_space<vmem>>, %arg7: memref<16xf32, #tpu.memory_space<vmem>>, %arg8: memref<32xf32, #tpu.memory_space<vmem>>) attributes {dimension_semantics = [#tpu.dimension_semantics<core_parallel>, #tpu.dimension_semantics<subcore_parallel>], iteration_bounds = array<i64: 2, 16>, scalar_prefetch = 0 : i64, scratch_operands = 4 : i64, tpu.core_type = #tpu.core_type<sc_vector_subcore>, window_params = [{transform_indices = #map}, {transform_indices = #map}, {transform_indices = #map}]} {
    %mul3A = arith.constant 2 : i32
    %mul3A_0 = arith.muli %arg1, %mul3A : i32
    %add3A = arith.addi %mul3A_0, %arg0 : i32
    %lt3A = arith.constant 32 : i32
    %lt3A_1 = arith.cmpi slt, %add3A, %lt3A : i32
    %convert_element_type3A = arith.extui %lt3A_1 : i1 to i32
    %cond3A = arith.constant 0 : i32
    %cond3A_2 = arith.cmpi ne, %convert_element_type3A, %cond3A : i32
    scf.if %cond3A_2 {
      %add3A_3 = arith.constant 96 : i32
      %add3A_4 = arith.addi %add3A_3, %add3A : i32
      "tpu.region"() ({
        %run_scoped3A = tpu.sem_alloc : memref<!tpu.dma_semaphore, #tpu.memory_space<semaphore_mem>>
        %dma_start3A = arith.constant 0 : i32
        %dma_start3A_93 = tpu.memref_slice %arg2[%add3A_4, %dma_start3A] : memref<128x32768xf32, #tpu.memory_space<hbm>> -> memref<1x32768xf32, #tpu.memory_space<hbm>>
        %dma_start3A_94 = tpu.memref_squeeze %dma_start3A_93 : memref<1x32768xf32, #tpu.memory_space<hbm>> -> memref<32768xf32, #tpu.memory_space<hbm>>
        %dma_start3A_95 = arith.constant 0 : i32
        %dma_start3A_96 = tpu.memref_slice %arg2[%add3A_4, %dma_start3A_95] : memref<128x32768xf32, #tpu.memory_space<hbm>> -> memref<1x32768xf32, #tpu.memory_space<hbm>>
        %dma_start3A_97 = tpu.memref_squeeze %dma_start3A_96 : memref<1x32768xf32, #tpu.memory_space<hbm>> -> memref<32768xf32, #tpu.memory_space<hbm>>
        tpu.enqueue_dma source(%dma_start3A_97 : memref<32768xf32, #tpu.memory_space<hbm>>) target(%arg5 : memref<32768xf32, #tpu.memory_space<vmem>>) target_semaphore(%run_scoped3A : memref<!tpu.dma_semaphore, #tpu.memory_space<semaphore_mem>>)
        %dma_wait3A = arith.constant 0 : i32
        %dma_wait3A_98 = tpu.memref_slice %arg2[%add3A_4, %dma_wait3A] : memref<128x32768xf32, #tpu.memory_space<hbm>> -> memref<1x32768xf32, #tpu.memory_space<hbm>>
        %dma_wait3A_99 = tpu.memref_squeeze %dma_wait3A_98 : memref<1x32768xf32, #tpu.memory_space<hbm>> -> memref<32768xf32, #tpu.memory_space<hbm>>
        %dma_wait3A_100 = arith.constant 0 : i32
        %dma_wait3A_101 = tpu.memref_slice %arg2[%add3A_4, %dma_wait3A_100] : memref<128x32768xf32, #tpu.memory_space<hbm>> -> memref<1x32768xf32, #tpu.memory_space<hbm>>
        %dma_wait3A_102 = tpu.memref_squeeze %dma_wait3A_101 : memref<1x32768xf32, #tpu.memory_space<hbm>> -> memref<32768xf32, #tpu.memory_space<hbm>>
        tpu.wait_dma2 semaphore(%run_scoped3A : memref<!tpu.dma_semaphore, #tpu.memory_space<semaphore_mem>>) src(%dma_wait3A_102 : memref<32768xf32, #tpu.memory_space<hbm>>) dst(%arg5 : memref<32768xf32, #tpu.memory_space<vmem>>)
        tpu.yield
      }) : () -> ()
      "tpu.region"() ({
        %run_scoped3A = tpu.sem_alloc : memref<!tpu.dma_semaphore, #tpu.memory_space<semaphore_mem>>
        %dma_start3A = arith.constant 0 : i32
        %dma_start3A_93 = tpu.memref_slice %arg3[%add3A, %dma_start3A] : memref<32x16xi32, #tpu.memory_space<hbm>> -> memref<1x16xi32, #tpu.memory_space<hbm>>
        %dma_start3A_94 = tpu.memref_squeeze %dma_start3A_93 : memref<1x16xi32, #tpu.memory_space<hbm>> -> memref<16xi32, #tpu.memory_space<hbm>>
        %dma_start3A_95 = arith.constant 0 : i32
        %dma_start3A_96 = tpu.memref_slice %arg3[%add3A, %dma_start3A_95] : memref<32x16xi32, #tpu.memory_space<hbm>> -> memref<1x16xi32, #tpu.memory_space<hbm>>
        %dma_start3A_97 = tpu.memref_squeeze %dma_start3A_96 : memref<1x16xi32, #tpu.memory_space<hbm>> -> memref<16xi32, #tpu.memory_space<hbm>>
        tpu.enqueue_dma source(%dma_start3A_97 : memref<16xi32, #tpu.memory_space<hbm>>) target(%arg6 : memref<16xi32, #tpu.memory_space<vmem>>) target_semaphore(%run_scoped3A : memref<!tpu.dma_semaphore, #tpu.memory_space<semaphore_mem>>)
        %dma_wait3A = arith.constant 0 : i32
        %dma_wait3A_98 = tpu.memref_slice %arg3[%add3A, %dma_wait3A] : memref<32x16xi32, #tpu.memory_space<hbm>> -> memref<1x16xi32, #tpu.memory_space<hbm>>
        %dma_wait3A_99 = tpu.memref_squeeze %dma_wait3A_98 : memref<1x16xi32, #tpu.memory_space<hbm>> -> memref<16xi32, #tpu.memory_space<hbm>>
        %dma_wait3A_100 = arith.constant 0 : i32
        %dma_wait3A_101 = tpu.memref_slice %arg3[%add3A, %dma_wait3A_100] : memref<32x16xi32, #tpu.memory_space<hbm>> -> memref<1x16xi32, #tpu.memory_space<hbm>>
        %dma_wait3A_102 = tpu.memref_squeeze %dma_wait3A_101 : memref<1x16xi32, #tpu.memory_space<hbm>> -> memref<16xi32, #tpu.memory_space<hbm>>
        tpu.wait_dma2 semaphore(%run_scoped3A : memref<!tpu.dma_semaphore, #tpu.memory_space<semaphore_mem>>) src(%dma_wait3A_102 : memref<16xi32, #tpu.memory_space<hbm>>) dst(%arg6 : memref<16xi32, #tpu.memory_space<vmem>>)
        tpu.yield
      }) : () -> ()
      %get3A = arith.constant 0 : index
      %get3A_5 = tpu.vector_load %arg6[%get3A] {strides = array<i32>} : memref<16xi32, #tpu.memory_space<vmem>>, vector<16xi32>,
      %get3A_6 = vector.shape_cast %get3A_5 : vector<16xi32> to vector<16xi32>
      %iota3A = tpu.iota {dimensions = array<i32: 0>} : vector<16xi32>
      %slice3A = vector.extract_strided_slice %get3A_6 {offsets = [0], sizes = [1], strides = [1]} : vector<16xi32> to vector<1xi32>
      %squeeze3A = vector.extract %slice3A[0] : i32 from vector<1xi32>
      %jit3A = arith.constant 16 : i32
      %eq3A = arith.constant 0 : i32
      %eq3A_7 = arith.cmpi eq, %jit3A, %eq3A : i32
      %jit3A_8 = arith.constant 1 : i32
      %select_n3A = arith.select %eq3A_7, %jit3A_8, %jit3A : i32
      %rem3A = arith.remsi %squeeze3A, %select_n3A : i32
      %ne3A = arith.constant 0 : i32
      %ne3A_9 = arith.cmpi ne, %rem3A, %ne3A : i32
      %lt3A_10 = arith.constant 0 : i32
      %lt3A_11 = arith.cmpi slt, %rem3A, %lt3A_10 : i32
      %lt3A_12 = arith.constant 0 : i32
      %lt3A_13 = arith.cmpi slt, %select_n3A, %lt3A_12 : i32
      %ne3A_14 = arith.xori %lt3A_11, %lt3A_13 : i1
      %and3A = arith.andi %ne3A_14, %ne3A_9 : i1
      %add3A_15 = arith.addi %rem3A, %select_n3A : i32
      %select_n3A_16 = arith.select %and3A, %add3A_15, %rem3A : i32
      %sub3A = arith.subi %squeeze3A, %select_n3A_16 : i32
      %get3A_17 = arith.index_cast %sub3A : i32 to index
      %get3A_18 = tpu.vector_load %arg5[%get3A_17] {strides = array<i32>} : memref<32768xf32, #tpu.memory_space<vmem>>, vector<16xf32>,
      %get3A_19 = vector.shape_cast %get3A_18 : vector<16xf32> to vector<16xf32>
      %swap3A = arith.constant 0 : index
      %swap3A_20 = tpu.vector_load %arg8[%swap3A] {strides = array<i32>} : memref<32xf32, #tpu.memory_space<vmem>>, vector<16xf32>,
      %swap3A_21 = vector.shape_cast %swap3A_20 : vector<16xf32> to vector<16xf32>
      %swap3A_22 = vector.shape_cast %get3A_19 : vector<16xf32> to vector<16xf32>
      tpu.vector_store %arg8[%swap3A], %swap3A_22 {strides = array<i32>} : memref<32xf32, #tpu.memory_space<vmem>>, vector<16xf32>,
      %swap3A_23 = arith.constant 16 : index
      %swap3A_24 = tpu.vector_load %arg8[%swap3A_23] {strides = array<i32>} : memref<32xf32, #tpu.memory_space<vmem>>, vector<16xf32>,
      %swap3A_25 = vector.shape_cast %swap3A_24 : vector<16xf32> to vector<16xf32>
      %swap3A_26 = vector.shape_cast %get3A_19 : vector<16xf32> to vector<16xf32>
      tpu.vector_store %arg8[%swap3A_23], %swap3A_26 {strides = array<i32>} : memref<32xf32, #tpu.memory_space<vmem>>, vector<16xf32>,
      %get3A_27 = arith.index_cast %select_n3A_16 : i32 to index
      %get3A_28 = tpu.vector_load %arg8[%get3A_27] {strides = array<i32>} : memref<32xf32, #tpu.memory_space<vmem>>, vector<16xf32>,
      %get3A_29 = vector.shape_cast %get3A_28 : vector<16xf32> to vector<16xf32>
      %slice3A_30 = vector.extract_strided_slice %get3A_29 {offsets = [0], sizes = [1], strides = [1]} : vector<16xf32> to vector<1xf32>
      %squeeze3A_31 = vector.extract %slice3A_30[0] : f32 from vector<1xf32>
      %broadcast_in_dim3A = vector.broadcast %squeeze3A_31 : f32 to vector<16xf32>
      %broadcast_in_dim3A_32 = arith.constant 1.000000e+00 : f32
      %broadcast_in_dim3A_33 = vector.broadcast %broadcast_in_dim3A_32 : f32 to vector<16xf32>
      %broadcast_in_dim3A_34 = arith.constant 0.000000e+00 : f32
      %broadcast_in_dim3A_35 = vector.broadcast %broadcast_in_dim3A_34 : f32 to vector<16xf32>
      %scan3A = arith.constant 0 : i32
      %scan3A_36 = arith.constant 256 : i32
      %scan3A_37 = arith.addi %scan3A, %scan3A_36 : i32
      %scan3A_38 = arith.constant 1 : i32
      %scan3A_39 = scf.for %scan3A_93 = %scan3A to %scan3A_37 step %scan3A_38 iter_args(%scan3A_94 = %broadcast_in_dim3A_35) -> (vector<16xf32>)  : i32 {
        %mul3A_95 = arith.constant 128 : i32
        %mul3A_96 = arith.muli %scan3A_93, %mul3A_95 : i32
        %add3A_97 = arith.constant 0 : i32
        %add3A_98 = arith.addi %mul3A_96, %add3A_97 : i32
        %get3A_99 = arith.index_cast %add3A_98 : i32 to index
        %get3A_100 = tpu.vector_load %arg5[%get3A_99] {strides = array<i32>} : memref<32768xf32, #tpu.memory_space<vmem>>, vector<16xf32>,
        %get3A_101 = vector.shape_cast %get3A_100 : vector<16xf32> to vector<16xf32>
        %add3A_102 = arith.constant 0 : i32
        %add3A_103 = arith.addi %mul3A_96, %add3A_102 : i32
        %add3A_104 = vector.broadcast %add3A_103 : i32 to vector<16xi32>
        %add3A_105 = arith.addi %iota3A, %add3A_104 : vector<16xi32>
        %gt3A = arith.cmpf ogt, %get3A_101, %broadcast_in_dim3A : vector<16xf32>
        %eq3A_106 = arith.cmpf oeq, %get3A_101, %broadcast_in_dim3A : vector<16xf32>
        %lt3A_107 = arith.cmpi slt, %add3A_105, %get3A_6 : vector<16xi32>
        %and3A_108 = arith.andi %eq3A_106, %lt3A_107 : vector<16xi1>
        %or3A = arith.ori %gt3A, %and3A_108 : vector<16xi1>
        %select_n3A_109 = arith.select %or3A, %broadcast_in_dim3A_33, %broadcast_in_dim3A_35 : vector<16xi1>, vector<16xf32>
        %add3A_110 = arith.addf %scan3A_94, %select_n3A_109 : vector<16xf32>
        %add3A_111 = arith.constant 16 : i32
        %add3A_112 = arith.addi %mul3A_96, %add3A_111 : i32
        %get3A_113 = arith.index_cast %add3A_112 : i32 to index
        %get3A_114 = tpu.vector_load %arg5[%get3A_113] {strides = array<i32>} : memref<32768xf32, #tpu.memory_space<vmem>>, vector<16xf32>,
        %get3A_115 = vector.shape_cast %get3A_114 : vector<16xf32> to vector<16xf32>
        %add3A_116 = arith.constant 16 : i32
        %add3A_117 = arith.addi %mul3A_96, %add3A_116 : i32
        %add3A_118 = vector.broadcast %add3A_117 : i32 to vector<16xi32>
        %add3A_119 = arith.addi %iota3A, %add3A_118 : vector<16xi32>
        %gt3A_120 = arith.cmpf ogt, %get3A_115, %broadcast_in_dim3A : vector<16xf32>
        %eq3A_121 = arith.cmpf oeq, %get3A_115, %broadcast_in_dim3A : vector<16xf32>
        %lt3A_122 = arith.cmpi slt, %add3A_119, %get3A_6 : vector<16xi32>
        %and3A_123 = arith.andi %eq3A_121, %lt3A_122 : vector<16xi1>
        %or3A_124 = arith.ori %gt3A_120, %and3A_123 : vector<16xi1>
        %select_n3A_125 = arith.select %or3A_124, %broadcast_in_dim3A_33, %broadcast_in_dim3A_35 : vector<16xi1>, vector<16xf32>
        %add3A_126 = arith.addf %add3A_110, %select_n3A_125 : vector<16xf32>
        %add3A_127 = arith.constant 32 : i32
        %add3A_128 = arith.addi %mul3A_96, %add3A_127 : i32
        %get3A_129 = arith.index_cast %add3A_128 : i32 to index
        %get3A_130 = tpu.vector_load %arg5[%get3A_129] {strides = array<i32>} : memref<32768xf32, #tpu.memory_space<vmem>>, vector<16xf32>,
        %get3A_131 = vector.shape_cast %get3A_130 : vector<16xf32> to vector<16xf32>
        %add3A_132 = arith.constant 32 : i32
        %add3A_133 = arith.addi %mul3A_96, %add3A_132 : i32
        %add3A_134 = vector.broadcast %add3A_133 : i32 to vector<16xi32>
        %add3A_135 = arith.addi %iota3A, %add3A_134 : vector<16xi32>
        %gt3A_136 = arith.cmpf ogt, %get3A_131, %broadcast_in_dim3A : vector<16xf32>
        %eq3A_137 = arith.cmpf oeq, %get3A_131, %broadcast_in_dim3A : vector<16xf32>
        %lt3A_138 = arith.cmpi slt, %add3A_135, %get3A_6 : vector<16xi32>
        %and3A_139 = arith.andi %eq3A_137, %lt3A_138 : vector<16xi1>
        %or3A_140 = arith.ori %gt3A_136, %and3A_139 : vector<16xi1>
        %select_n3A_141 = arith.select %or3A_140, %broadcast_in_dim3A_33, %broadcast_in_dim3A_35 : vector<16xi1>, vector<16xf32>
        %add3A_142 = arith.addf %add3A_126, %select_n3A_141 : vector<16xf32>
        %add3A_143 = arith.constant 48 : i32
        %add3A_144 = arith.addi %mul3A_96, %add3A_143 : i32
        %get3A_145 = arith.index_cast %add3A_144 : i32 to index
        %get3A_146 = tpu.vector_load %arg5[%get3A_145] {strides = array<i32>} : memref<32768xf32, #tpu.memory_space<vmem>>, vector<16xf32>,
        %get3A_147 = vector.shape_cast %get3A_146 : vector<16xf32> to vector<16xf32>
        %add3A_148 = arith.constant 48 : i32
        %add3A_149 = arith.addi %mul3A_96, %add3A_148 : i32
        %add3A_150 = vector.broadcast %add3A_149 : i32 to vector<16xi32>
        %add3A_151 = arith.addi %iota3A, %add3A_150 : vector<16xi32>
        %gt3A_152 = arith.cmpf ogt, %get3A_147, %broadcast_in_dim3A : vector<16xf32>
        %eq3A_153 = arith.cmpf oeq, %get3A_147, %broadcast_in_dim3A : vector<16xf32>
        %lt3A_154 = arith.cmpi slt, %add3A_151, %get3A_6 : vector<16xi32>
        %and3A_155 = arith.andi %eq3A_153, %lt3A_154 : vector<16xi1>
        %or3A_156 = arith.ori %gt3A_152, %and3A_155 : vector<16xi1>
        %select_n3A_157 = arith.select %or3A_156, %broadcast_in_dim3A_33, %broadcast_in_dim3A_35 : vector<16xi1>, vector<16xf32>
        %add3A_158 = arith.addf %add3A_142, %select_n3A_157 : vector<16xf32>
        %add3A_159 = arith.constant 64 : i32
        %add3A_160 = arith.addi %mul3A_96, %add3A_159 : i32
        %get3A_161 = arith.index_cast %add3A_160 : i32 to index
        %get3A_162 = tpu.vector_load %arg5[%get3A_161] {strides = array<i32>} : memref<32768xf32, #tpu.memory_space<vmem>>, vector<16xf32>,
        %get3A_163 = vector.shape_cast %get3A_162 : vector<16xf32> to vector<16xf32>
        %add3A_164 = arith.constant 64 : i32
        %add3A_165 = arith.addi %mul3A_96, %add3A_164 : i32
        %add3A_166 = vector.broadcast %add3A_165 : i32 to vector<16xi32>
        %add3A_167 = arith.addi %iota3A, %add3A_166 : vector<16xi32>
        %gt3A_168 = arith.cmpf ogt, %get3A_163, %broadcast_in_dim3A : vector<16xf32>
        %eq3A_169 = arith.cmpf oeq, %get3A_163, %broadcast_in_dim3A : vector<16xf32>
        %lt3A_170 = arith.cmpi slt, %add3A_167, %get3A_6 : vector<16xi32>
        %and3A_171 = arith.andi %eq3A_169, %lt3A_170 : vector<16xi1>
        %or3A_172 = arith.ori %gt3A_168, %and3A_171 : vector<16xi1>
        %select_n3A_173 = arith.select %or3A_172, %broadcast_in_dim3A_33, %broadcast_in_dim3A_35 : vector<16xi1>, vector<16xf32>
        %add3A_174 = arith.addf %add3A_158, %select_n3A_173 : vector<16xf32>
        %add3A_175 = arith.constant 80 : i32
        %add3A_176 = arith.addi %mul3A_96, %add3A_175 : i32
        %get3A_177 = arith.index_cast %add3A_176 : i32 to index
        %get3A_178 = tpu.vector_load %arg5[%get3A_177] {strides = array<i32>} : memref<32768xf32, #tpu.memory_space<vmem>>, vector<16xf32>,
        %get3A_179 = vector.shape_cast %get3A_178 : vector<16xf32> to vector<16xf32>
        %add3A_180 = arith.constant 80 : i32
        %add3A_181 = arith.addi %mul3A_96, %add3A_180 : i32
        %add3A_182 = vector.broadcast %add3A_181 : i32 to vector<16xi32>
        %add3A_183 = arith.addi %iota3A, %add3A_182 : vector<16xi32>
        %gt3A_184 = arith.cmpf ogt, %get3A_179, %broadcast_in_dim3A : vector<16xf32>
        %eq3A_185 = arith.cmpf oeq, %get3A_179, %broadcast_in_dim3A : vector<16xf32>
        %lt3A_186 = arith.cmpi slt, %add3A_183, %get3A_6 : vector<16xi32>
        %and3A_187 = arith.andi %eq3A_185, %lt3A_186 : vector<16xi1>
        %or3A_188 = arith.ori %gt3A_184, %and3A_187 : vector<16xi1>
        %select_n3A_189 = arith.select %or3A_188, %broadcast_in_dim3A_33, %broadcast_in_dim3A_35 : vector<16xi1>, vector<16xf32>
        %add3A_190 = arith.addf %add3A_174, %select_n3A_189 : vector<16xf32>
        %add3A_191 = arith.constant 96 : i32
        %add3A_192 = arith.addi %mul3A_96, %add3A_191 : i32
        %get3A_193 = arith.index_cast %add3A_192 : i32 to index
        %get3A_194 = tpu.vector_load %arg5[%get3A_193] {strides = array<i32>} : memref<32768xf32, #tpu.memory_space<vmem>>, vector<16xf32>,
        %get3A_195 = vector.shape_cast %get3A_194 : vector<16xf32> to vector<16xf32>
        %add3A_196 = arith.constant 96 : i32
        %add3A_197 = arith.addi %mul3A_96, %add3A_196 : i32
        %add3A_198 = vector.broadcast %add3A_197 : i32 to vector<16xi32>
        %add3A_199 = arith.addi %iota3A, %add3A_198 : vector<16xi32>
        %gt3A_200 = arith.cmpf ogt, %get3A_195, %broadcast_in_dim3A : vector<16xf32>
        %eq3A_201 = arith.cmpf oeq, %get3A_195, %broadcast_in_dim3A : vector<16xf32>
        %lt3A_202 = arith.cmpi slt, %add3A_199, %get3A_6 : vector<16xi32>
        %and3A_203 = arith.andi %eq3A_201, %lt3A_202 : vector<16xi1>
        %or3A_204 = arith.ori %gt3A_200, %and3A_203 : vector<16xi1>
        %select_n3A_205 = arith.select %or3A_204, %broadcast_in_dim3A_33, %broadcast_in_dim3A_35 : vector<16xi1>, vector<16xf32>
        %add3A_206 = arith.addf %add3A_190, %select_n3A_205 : vector<16xf32>
        %add3A_207 = arith.constant 112 : i32
        %add3A_208 = arith.addi %mul3A_96, %add3A_207 : i32
        %get3A_209 = arith.index_cast %add3A_208 : i32 to index
        %get3A_210 = tpu.vector_load %arg5[%get3A_209] {strides = array<i32>} : memref<32768xf32, #tpu.memory_space<vmem>>, vector<16xf32>,
        %get3A_211 = vector.shape_cast %get3A_210 : vector<16xf32> to vector<16xf32>
        %add3A_212 = arith.constant 112 : i32
        %add3A_213 = arith.addi %mul3A_96, %add3A_212 : i32
        %add3A_214 = vector.broadcast %add3A_213 : i32 to vector<16xi32>
        %add3A_215 = arith.addi %iota3A, %add3A_214 : vector<16xi32>
        %gt3A_216 = arith.cmpf ogt, %get3A_211, %broadcast_in_dim3A : vector<16xf32>
        %eq3A_217 = arith.cmpf oeq, %get3A_211, %broadcast_in_dim3A : vector<16xf32>
        %lt3A_218 = arith.cmpi slt, %add3A_215, %get3A_6 : vector<16xi32>
        %and3A_219 = arith.andi %eq3A_217, %lt3A_218 : vector<16xi1>
        %or3A_220 = arith.ori %gt3A_216, %and3A_219 : vector<16xi1>
        %select_n3A_221 = arith.select %or3A_220, %broadcast_in_dim3A_33, %broadcast_in_dim3A_35 : vector<16xi1>, vector<16xf32>
        %add3A_222 = arith.addf %add3A_206, %select_n3A_221 : vector<16xf32>
        scf.yield %add3A_222 : vector<16xf32>
      }
      %scan3A_40 = arith.constant 256 : i32
      %slice3A_41 = vector.extract_strided_slice %scan3A_39 {offsets = [0], sizes = [1], strides = [1]} : vector<16xf32> to vector<1xf32>
      %squeeze3A_42 = vector.extract %slice3A_41[0] : f32 from vector<1xf32>
      %slice3A_43 = vector.extract_strided_slice %scan3A_39 {offsets = [1], sizes = [1], strides = [1]} : vector<16xf32> to vector<1xf32>
      %squeeze3A_44 = vector.extract %slice3A_43[0] : f32 from vector<1xf32>
      %add3A_45 = arith.addf %squeeze3A_42, %squeeze3A_44 : f32
      %slice3A_46 = vector.extract_strided_slice %scan3A_39 {offsets = [2], sizes = [1], strides = [1]} : vector<16xf32> to vector<1xf32>
      %squeeze3A_47 = vector.extract %slice3A_46[0] : f32 from vector<1xf32>
      %add3A_48 = arith.addf %add3A_45, %squeeze3A_47 : f32
      %slice3A_49 = vector.extract_strided_slice %scan3A_39 {offsets = [3], sizes = [1], strides = [1]} : vector<16xf32> to vector<1xf32>
      %squeeze3A_50 = vector.extract %slice3A_49[0] : f32 from vector<1xf32>
      %add3A_51 = arith.addf %add3A_48, %squeeze3A_50 : f32
      %slice3A_52 = vector.extract_strided_slice %scan3A_39 {offsets = [4], sizes = [1], strides = [1]} : vector<16xf32> to vector<1xf32>
      %squeeze3A_53 = vector.extract %slice3A_52[0] : f32 from vector<1xf32>
      %add3A_54 = arith.addf %add3A_51, %squeeze3A_53 : f32
      %slice3A_55 = vector.extract_strided_slice %scan3A_39 {offsets = [5], sizes = [1], strides = [1]} : vector<16xf32> to vector<1xf32>
      %squeeze3A_56 = vector.extract %slice3A_55[0] : f32 from vector<1xf32>
      %add3A_57 = arith.addf %add3A_54, %squeeze3A_56 : f32
      %slice3A_58 = vector.extract_strided_slice %scan3A_39 {offsets = [6], sizes = [1], strides = [1]} : vector<16xf32> to vector<1xf32>
      %squeeze3A_59 = vector.extract %slice3A_58[0] : f32 from vector<1xf32>
      %add3A_60 = arith.addf %add3A_57, %squeeze3A_59 : f32
      %slice3A_61 = vector.extract_strided_slice %scan3A_39 {offsets = [7], sizes = [1], strides = [1]} : vector<16xf32> to vector<1xf32>
      %squeeze3A_62 = vector.extract %slice3A_61[0] : f32 from vector<1xf32>
      %add3A_63 = arith.addf %add3A_60, %squeeze3A_62 : f32
      %slice3A_64 = vector.extract_strided_slice %scan3A_39 {offsets = [8], sizes = [1], strides = [1]} : vector<16xf32> to vector<1xf32>
      %squeeze3A_65 = vector.extract %slice3A_64[0] : f32 from vector<1xf32>
      %add3A_66 = arith.addf %add3A_63, %squeeze3A_65 : f32
      %slice3A_67 = vector.extract_strided_slice %scan3A_39 {offsets = [9], sizes = [1], strides = [1]} : vector<16xf32> to vector<1xf32>
      %squeeze3A_68 = vector.extract %slice3A_67[0] : f32 from vector<1xf32>
      %add3A_69 = arith.addf %add3A_66, %squeeze3A_68 : f32
      %slice3A_70 = vector.extract_strided_slice %scan3A_39 {offsets = [10], sizes = [1], strides = [1]} : vector<16xf32> to vector<1xf32>
      %squeeze3A_71 = vector.extract %slice3A_70[0] : f32 from vector<1xf32>
      %add3A_72 = arith.addf %add3A_69, %squeeze3A_71 : f32
      %slice3A_73 = vector.extract_strided_slice %scan3A_39 {offsets = [11], sizes = [1], strides = [1]} : vector<16xf32> to vector<1xf32>
      %squeeze3A_74 = vector.extract %slice3A_73[0] : f32 from vector<1xf32>
      %add3A_75 = arith.addf %add3A_72, %squeeze3A_74 : f32
      %slice3A_76 = vector.extract_strided_slice %scan3A_39 {offsets = [12], sizes = [1], strides = [1]} : vector<16xf32> to vector<1xf32>
      %squeeze3A_77 = vector.extract %slice3A_76[0] : f32 from vector<1xf32>
      %add3A_78 = arith.addf %add3A_75, %squeeze3A_77 : f32
      %slice3A_79 = vector.extract_strided_slice %scan3A_39 {offsets = [13], sizes = [1], strides = [1]} : vector<16xf32> to vector<1xf32>
      %squeeze3A_80 = vector.extract %slice3A_79[0] : f32 from vector<1xf32>
      %add3A_81 = arith.addf %add3A_78, %squeeze3A_80 : f32
      %slice3A_82 = vector.extract_strided_slice %scan3A_39 {offsets = [14], sizes = [1], strides = [1]} : vector<16xf32> to vector<1xf32>
      %squeeze3A_83 = vector.extract %slice3A_82[0] : f32 from vector<1xf32>
      %add3A_84 = arith.addf %add3A_81, %squeeze3A_83 : f32
      %slice3A_85 = vector.extract_strided_slice %scan3A_39 {offsets = [15], sizes = [1], strides = [1]} : vector<16xf32> to vector<1xf32>
      %squeeze3A_86 = vector.extract %slice3A_85[0] : f32 from vector<1xf32>
      %add3A_87 = arith.addf %add3A_84, %squeeze3A_86 : f32
      %broadcast_in_dim3A_88 = vector.broadcast %add3A_87 : f32 to vector<16xf32>
      %swap3A_89 = arith.constant 0 : index
      %swap3A_90 = tpu.vector_load %arg7[%swap3A_89] {strides = array<i32>} : memref<16xf32, #tpu.memory_space<vmem>>, vector<16xf32>,
      %swap3A_91 = vector.shape_cast %swap3A_90 : vector<16xf32> to vector<16xf32>
      %swap3A_92 = vector.shape_cast %broadcast_in_dim3A_88 : vector<16xf32> to vector<16xf32>
      tpu.vector_store %arg7[%swap3A_89], %swap3A_92 {strides = array<i32>} : memref<16xf32, #tpu.memory_space<vmem>>, vector<16xf32>,
      "tpu.region"() ({
        %run_scoped3A = tpu.sem_alloc : memref<!tpu.dma_semaphore, #tpu.memory_space<semaphore_mem>>
        %dma_start3A = arith.constant 0 : i32
        %dma_start3A_93 = tpu.memref_slice %arg4[%add3A, %dma_start3A] : memref<32x16xf32, #tpu.memory_space<hbm>> -> memref<1x16xf32, #tpu.memory_space<hbm>>
        %dma_start3A_94 = tpu.memref_squeeze %dma_start3A_93 : memref<1x16xf32, #tpu.memory_space<hbm>> -> memref<16xf32, #tpu.memory_space<hbm>>
        %dma_start3A_95 = arith.constant 0 : i32
        %dma_start3A_96 = tpu.memref_slice %arg4[%add3A, %dma_start3A_95] : memref<32x16xf32, #tpu.memory_space<hbm>> -> memref<1x16xf32, #tpu.memory_space<hbm>>
        %dma_start3A_97 = tpu.memref_squeeze %dma_start3A_96 : memref<1x16xf32, #tpu.memory_space<hbm>> -> memref<16xf32, #tpu.memory_space<hbm>>
        tpu.enqueue_dma source(%arg7 : memref<16xf32, #tpu.memory_space<vmem>>) target(%dma_start3A_97 : memref<16xf32, #tpu.memory_space<hbm>>) target_semaphore(%run_scoped3A : memref<!tpu.dma_semaphore, #tpu.memory_space<semaphore_mem>>)
        %dma_wait3A = arith.constant 0 : i32
        %dma_wait3A_98 = tpu.memref_slice %arg4[%add3A, %dma_wait3A] : memref<32x16xf32, #tpu.memory_space<hbm>> -> memref<1x16xf32, #tpu.memory_space<hbm>>
        %dma_wait3A_99 = tpu.memref_squeeze %dma_wait3A_98 : memref<1x16xf32, #tpu.memory_space<hbm>> -> memref<16xf32, #tpu.memory_space<hbm>>
        %dma_wait3A_100 = arith.constant 0 : i32
        %dma_wait3A_101 = tpu.memref_slice %arg4[%add3A, %dma_wait3A_100] : memref<32x16xf32, #tpu.memory_space<hbm>> -> memref<1x16xf32, #tpu.memory_space<hbm>>
        %dma_wait3A_102 = tpu.memref_squeeze %dma_wait3A_101 : memref<1x16xf32, #tpu.memory_space<hbm>> -> memref<16xf32, #tpu.memory_space<hbm>>
        tpu.wait_dma2 semaphore(%run_scoped3A : memref<!tpu.dma_semaphore, #tpu.memory_space<semaphore_mem>>) src(%arg7 : memref<16xf32, #tpu.memory_space<vmem>>) dst(%dma_wait3A_102 : memref<16xf32, #tpu.memory_space<hbm>>)
        tpu.yield
      }) : () -> ()
    } else {
    }
    return
  }
}

module attributes {stable_mosaic.version = 14 : i64} {
  func.func @_tc_kernel(%arg0: i32, %arg1: memref<32x32768xf32, #tpu.memory_space<vmem>>, %arg2: memref<128x1xi32, #tpu.memory_space<vmem>>, %arg3: memref<1x1xf32, #tpu.memory_space<vmem>>, %arg4: memref<1x1xf32, #tpu.memory_space<vmem>>) attributes {dimension_semantics = [#tpu.dimension_semantics<arbitrary>], iteration_bounds = array<i64: 3>, scalar_prefetch = 0 : i64, scratch_operands = 0 : i64, tpu.core_type = #tpu.core_type<tc>, window_params = [{transform_indices = @transform_0, window_bounds = array<i64: 32, 32768>}, {pipeline_mode = #tpu.pipeline_mode<synchronous>, transform_indices = @transform_1, window_bounds = array<i64: 128, 1>}, {pipeline_mode = #tpu.pipeline_mode<synchronous>, transform_indices = @transform_2, window_bounds = array<i64: 1, 1>}, {pipeline_mode = #tpu.pipeline_mode<synchronous>, transform_indices = @transform_3, window_bounds = array<i64: 1, 1>}]} {
    %mul3A = arith.constant 32 : i32
    %mul3A_0 = arith.muli %arg0, %mul3A : i32
    %get3A = arith.index_cast %mul3A_0 : i32 to index
    %get3A_1 = arith.constant 0 : index
    %get3A_2 = vector.load %arg2[%get3A, %get3A_1] : memref<128x1xi32, #tpu.memory_space<vmem>>, vector<32x1xi32>
    %get3A_3 = arith.constant 0 : index
    %get3A_4 = arith.constant 0 : index
    %get3A_5 = vector.load %arg1[%get3A_3, %get3A_4] : memref<32x32768xf32, #tpu.memory_space<vmem>>, vector<32x4096xf32>
    %iota3A = tpu.iota {dimensions = array<i32: 1>} : vector<32x4096xi32>
    %add3A = arith.constant 0 : i32
    %add3A_6 = vector.broadcast %add3A : i32 to vector<32x4096xi32>
    %add3A_7 = arith.addi %iota3A, %add3A_6 : vector<32x4096xi32>
    %eq3A = vector.broadcast %get3A_2 : vector<32x1xi32> to vector<32x4096xi32>
    %eq3A_8 = arith.cmpi eq, %add3A_7, %eq3A : vector<32x4096xi32>
    %jit3A = arith.constant 0xFF800000 : f32
    %broadcast_in_dim3A = vector.broadcast %jit3A : f32 to vector<32x4096xf32>
    %select_n3A = arith.select %eq3A_8, %get3A_5, %broadcast_in_dim3A : vector<32x4096xi1>, vector<32x4096xf32>
    %reduce_max3A = arith.constant dense<0xFF800000> : vector<32xf32>
    %reduce_max3A_9 = vector.multi_reduction <maximumf>, %select_n3A, %reduce_max3A [1] : vector<32x4096xf32> to vector<32xf32>
    %broadcast_in_dim3A_10 = vector.shape_cast %reduce_max3A_9 : vector<32xf32> to vector<32x1xf32>
    %get3A_11 = arith.constant 0 : index
    %get3A_12 = arith.constant 4096 : index
    %get3A_13 = vector.load %arg1[%get3A_11, %get3A_12] : memref<32x32768xf32, #tpu.memory_space<vmem>>, vector<32x4096xf32>
    %iota3A_14 = tpu.iota {dimensions = array<i32: 1>} : vector<32x4096xi32>
    %add3A_15 = arith.constant 4096 : i32
    %add3A_16 = vector.broadcast %add3A_15 : i32 to vector<32x4096xi32>
    %add3A_17 = arith.addi %iota3A_14, %add3A_16 : vector<32x4096xi32>
    %eq3A_18 = vector.broadcast %get3A_2 : vector<32x1xi32> to vector<32x4096xi32>
    %eq3A_19 = arith.cmpi eq, %add3A_17, %eq3A_18 : vector<32x4096xi32>
    %jit3A_20 = arith.constant 0xFF800000 : f32
    %broadcast_in_dim3A_21 = vector.broadcast %jit3A_20 : f32 to vector<32x4096xf32>
    %select_n3A_22 = arith.select %eq3A_19, %get3A_13, %broadcast_in_dim3A_21 : vector<32x4096xi1>, vector<32x4096xf32>
    %reduce_max3A_23 = arith.constant dense<0xFF800000> : vector<32xf32>
    %reduce_max3A_24 = vector.multi_reduction <maximumf>, %select_n3A_22, %reduce_max3A_23 [1] : vector<32x4096xf32> to vector<32xf32>
    %broadcast_in_dim3A_25 = vector.shape_cast %reduce_max3A_24 : vector<32xf32> to vector<32x1xf32>
    %get3A_26 = arith.constant 0 : index
    %get3A_27 = arith.constant 8192 : index
    %get3A_28 = vector.load %arg1[%get3A_26, %get3A_27] : memref<32x32768xf32, #tpu.memory_space<vmem>>, vector<32x4096xf32>
    %iota3A_29 = tpu.iota {dimensions = array<i32: 1>} : vector<32x4096xi32>
    %add3A_30 = arith.constant 8192 : i32
    %add3A_31 = vector.broadcast %add3A_30 : i32 to vector<32x4096xi32>
    %add3A_32 = arith.addi %iota3A_29, %add3A_31 : vector<32x4096xi32>
    %eq3A_33 = vector.broadcast %get3A_2 : vector<32x1xi32> to vector<32x4096xi32>
    %eq3A_34 = arith.cmpi eq, %add3A_32, %eq3A_33 : vector<32x4096xi32>
    %jit3A_35 = arith.constant 0xFF800000 : f32
    %broadcast_in_dim3A_36 = vector.broadcast %jit3A_35 : f32 to vector<32x4096xf32>
    %select_n3A_37 = arith.select %eq3A_34, %get3A_28, %broadcast_in_dim3A_36 : vector<32x4096xi1>, vector<32x4096xf32>
    %reduce_max3A_38 = arith.constant dense<0xFF800000> : vector<32xf32>
    %reduce_max3A_39 = vector.multi_reduction <maximumf>, %select_n3A_37, %reduce_max3A_38 [1] : vector<32x4096xf32> to vector<32xf32>
    %broadcast_in_dim3A_40 = vector.shape_cast %reduce_max3A_39 : vector<32xf32> to vector<32x1xf32>
    %get3A_41 = arith.constant 0 : index
    %get3A_42 = arith.constant 12288 : index
    %get3A_43 = vector.load %arg1[%get3A_41, %get3A_42] : memref<32x32768xf32, #tpu.memory_space<vmem>>, vector<32x4096xf32>
    %iota3A_44 = tpu.iota {dimensions = array<i32: 1>} : vector<32x4096xi32>
    %add3A_45 = arith.constant 12288 : i32
    %add3A_46 = vector.broadcast %add3A_45 : i32 to vector<32x4096xi32>
    %add3A_47 = arith.addi %iota3A_44, %add3A_46 : vector<32x4096xi32>
    %eq3A_48 = vector.broadcast %get3A_2 : vector<32x1xi32> to vector<32x4096xi32>
    %eq3A_49 = arith.cmpi eq, %add3A_47, %eq3A_48 : vector<32x4096xi32>
    %jit3A_50 = arith.constant 0xFF800000 : f32
    %broadcast_in_dim3A_51 = vector.broadcast %jit3A_50 : f32 to vector<32x4096xf32>
    %select_n3A_52 = arith.select %eq3A_49, %get3A_43, %broadcast_in_dim3A_51 : vector<32x4096xi1>, vector<32x4096xf32>
    %reduce_max3A_53 = arith.constant dense<0xFF800000> : vector<32xf32>
    %reduce_max3A_54 = vector.multi_reduction <maximumf>, %select_n3A_52, %reduce_max3A_53 [1] : vector<32x4096xf32> to vector<32xf32>
    %broadcast_in_dim3A_55 = vector.shape_cast %reduce_max3A_54 : vector<32xf32> to vector<32x1xf32>
    %get3A_56 = arith.constant 0 : index
    %get3A_57 = arith.constant 16384 : index
    %get3A_58 = vector.load %arg1[%get3A_56, %get3A_57] : memref<32x32768xf32, #tpu.memory_space<vmem>>, vector<32x4096xf32>
    %iota3A_59 = tpu.iota {dimensions = array<i32: 1>} : vector<32x4096xi32>
    %add3A_60 = arith.constant 16384 : i32
    %add3A_61 = vector.broadcast %add3A_60 : i32 to vector<32x4096xi32>
    %add3A_62 = arith.addi %iota3A_59, %add3A_61 : vector<32x4096xi32>
    %eq3A_63 = vector.broadcast %get3A_2 : vector<32x1xi32> to vector<32x4096xi32>
    %eq3A_64 = arith.cmpi eq, %add3A_62, %eq3A_63 : vector<32x4096xi32>
    %jit3A_65 = arith.constant 0xFF800000 : f32
    %broadcast_in_dim3A_66 = vector.broadcast %jit3A_65 : f32 to vector<32x4096xf32>
    %select_n3A_67 = arith.select %eq3A_64, %get3A_58, %broadcast_in_dim3A_66 : vector<32x4096xi1>, vector<32x4096xf32>
    %reduce_max3A_68 = arith.constant dense<0xFF800000> : vector<32xf32>
    %reduce_max3A_69 = vector.multi_reduction <maximumf>, %select_n3A_67, %reduce_max3A_68 [1] : vector<32x4096xf32> to vector<32xf32>
    %broadcast_in_dim3A_70 = vector.shape_cast %reduce_max3A_69 : vector<32xf32> to vector<32x1xf32>
    %get3A_71 = arith.constant 0 : index
    %get3A_72 = arith.constant 20480 : index
    %get3A_73 = vector.load %arg1[%get3A_71, %get3A_72] : memref<32x32768xf32, #tpu.memory_space<vmem>>, vector<32x4096xf32>
    %iota3A_74 = tpu.iota {dimensions = array<i32: 1>} : vector<32x4096xi32>
    %add3A_75 = arith.constant 20480 : i32
    %add3A_76 = vector.broadcast %add3A_75 : i32 to vector<32x4096xi32>
    %add3A_77 = arith.addi %iota3A_74, %add3A_76 : vector<32x4096xi32>
    %eq3A_78 = vector.broadcast %get3A_2 : vector<32x1xi32> to vector<32x4096xi32>
    %eq3A_79 = arith.cmpi eq, %add3A_77, %eq3A_78 : vector<32x4096xi32>
    %jit3A_80 = arith.constant 0xFF800000 : f32
    %broadcast_in_dim3A_81 = vector.broadcast %jit3A_80 : f32 to vector<32x4096xf32>
    %select_n3A_82 = arith.select %eq3A_79, %get3A_73, %broadcast_in_dim3A_81 : vector<32x4096xi1>, vector<32x4096xf32>
    %reduce_max3A_83 = arith.constant dense<0xFF800000> : vector<32xf32>
    %reduce_max3A_84 = vector.multi_reduction <maximumf>, %select_n3A_82, %reduce_max3A_83 [1] : vector<32x4096xf32> to vector<32xf32>
    %broadcast_in_dim3A_85 = vector.shape_cast %reduce_max3A_84 : vector<32xf32> to vector<32x1xf32>
    %get3A_86 = arith.constant 0 : index
    %get3A_87 = arith.constant 24576 : index
    %get3A_88 = vector.load %arg1[%get3A_86, %get3A_87] : memref<32x32768xf32, #tpu.memory_space<vmem>>, vector<32x4096xf32>
    %iota3A_89 = tpu.iota {dimensions = array<i32: 1>} : vector<32x4096xi32>
    %add3A_90 = arith.constant 24576 : i32
    %add3A_91 = vector.broadcast %add3A_90 : i32 to vector<32x4096xi32>
    %add3A_92 = arith.addi %iota3A_89, %add3A_91 : vector<32x4096xi32>
    %eq3A_93 = vector.broadcast %get3A_2 : vector<32x1xi32> to vector<32x4096xi32>
    %eq3A_94 = arith.cmpi eq, %add3A_92, %eq3A_93 : vector<32x4096xi32>
    %jit3A_95 = arith.constant 0xFF800000 : f32
    %broadcast_in_dim3A_96 = vector.broadcast %jit3A_95 : f32 to vector<32x4096xf32>
    %select_n3A_97 = arith.select %eq3A_94, %get3A_88, %broadcast_in_dim3A_96 : vector<32x4096xi1>, vector<32x4096xf32>
    %reduce_max3A_98 = arith.constant dense<0xFF800000> : vector<32xf32>
    %reduce_max3A_99 = vector.multi_reduction <maximumf>, %select_n3A_97, %reduce_max3A_98 [1] : vector<32x4096xf32> to vector<32xf32>
    %broadcast_in_dim3A_100 = vector.shape_cast %reduce_max3A_99 : vector<32xf32> to vector<32x1xf32>
    %get3A_101 = arith.constant 0 : index
    %get3A_102 = arith.constant 28672 : index
    %get3A_103 = vector.load %arg1[%get3A_101, %get3A_102] : memref<32x32768xf32, #tpu.memory_space<vmem>>, vector<32x4096xf32>
    %iota3A_104 = tpu.iota {dimensions = array<i32: 1>} : vector<32x4096xi32>
    %add3A_105 = arith.constant 28672 : i32
    %add3A_106 = vector.broadcast %add3A_105 : i32 to vector<32x4096xi32>
    %add3A_107 = arith.addi %iota3A_104, %add3A_106 : vector<32x4096xi32>
    %eq3A_108 = vector.broadcast %get3A_2 : vector<32x1xi32> to vector<32x4096xi32>
    %eq3A_109 = arith.cmpi eq, %add3A_107, %eq3A_108 : vector<32x4096xi32>
    %jit3A_110 = arith.constant 0xFF800000 : f32
    %broadcast_in_dim3A_111 = vector.broadcast %jit3A_110 : f32 to vector<32x4096xf32>
    %select_n3A_112 = arith.select %eq3A_109, %get3A_103, %broadcast_in_dim3A_111 : vector<32x4096xi1>, vector<32x4096xf32>
    %reduce_max3A_113 = arith.constant dense<0xFF800000> : vector<32xf32>
    %reduce_max3A_114 = vector.multi_reduction <maximumf>, %select_n3A_112, %reduce_max3A_113 [1] : vector<32x4096xf32> to vector<32xf32>
    %broadcast_in_dim3A_115 = vector.shape_cast %reduce_max3A_114 : vector<32xf32> to vector<32x1xf32>
    %max3A = arith.maximumf %broadcast_in_dim3A_10, %broadcast_in_dim3A_25 : vector<32x1xf32>
    %max3A_116 = arith.maximumf %max3A, %broadcast_in_dim3A_40 : vector<32x1xf32>
    %max3A_117 = arith.maximumf %max3A_116, %broadcast_in_dim3A_55 : vector<32x1xf32>
    %max3A_118 = arith.maximumf %max3A_117, %broadcast_in_dim3A_70 : vector<32x1xf32>
    %max3A_119 = arith.maximumf %max3A_118, %broadcast_in_dim3A_85 : vector<32x1xf32>
    %max3A_120 = arith.maximumf %max3A_119, %broadcast_in_dim3A_100 : vector<32x1xf32>
    %max3A_121 = arith.maximumf %max3A_120, %broadcast_in_dim3A_115 : vector<32x1xf32>
    %get3A_122 = arith.constant 0 : index
    %get3A_123 = arith.constant 0 : index
    %get3A_124 = vector.load %arg1[%get3A_122, %get3A_123] : memref<32x32768xf32, #tpu.memory_space<vmem>>, vector<32x4096xf32>
    %iota3A_125 = tpu.iota {dimensions = array<i32: 1>} : vector<32x4096xi32>
    %add3A_126 = arith.constant 0 : i32
    %add3A_127 = vector.broadcast %add3A_126 : i32 to vector<32x4096xi32>
    %add3A_128 = arith.addi %iota3A_125, %add3A_127 : vector<32x4096xi32>
    %gt3A = vector.broadcast %max3A_121 : vector<32x1xf32> to vector<32x4096xf32>
    %gt3A_129 = arith.cmpf ogt, %get3A_124, %gt3A : vector<32x4096xf32>
    %eq3A_130 = vector.broadcast %max3A_121 : vector<32x1xf32> to vector<32x4096xf32>
    %eq3A_131 = arith.cmpf oeq, %get3A_124, %eq3A_130 : vector<32x4096xf32>
    %lt3A = vector.broadcast %get3A_2 : vector<32x1xi32> to vector<32x4096xi32>
    %lt3A_132 = arith.cmpi slt, %add3A_128, %lt3A : vector<32x4096xi32>
    %and3A = arith.andi %eq3A_131, %lt3A_132 : vector<32x4096xi1>
    %or3A = arith.ori %gt3A_129, %and3A : vector<32x4096xi1>
    %convert_element_type3A = arith.extui %or3A : vector<32x4096xi1> to vector<32x4096xi32>
    %convert_element_type3A_133 = arith.sitofp %convert_element_type3A : vector<32x4096xi32> to vector<32x4096xf32>
    %reduce_sum3A = arith.constant dense<0.000000e+00> : vector<32xf32>
    %reduce_sum3A_134 = vector.multi_reduction <add>, %convert_element_type3A_133, %reduce_sum3A [1] : vector<32x4096xf32> to vector<32xf32>
    %broadcast_in_dim3A_135 = vector.shape_cast %reduce_sum3A_134 : vector<32xf32> to vector<32x1xf32>
    %get3A_136 = arith.constant 0 : index
    %get3A_137 = arith.constant 4096 : index
    %get3A_138 = vector.load %arg1[%get3A_136, %get3A_137] : memref<32x32768xf32, #tpu.memory_space<vmem>>, vector<32x4096xf32>
    %iota3A_139 = tpu.iota {dimensions = array<i32: 1>} : vector<32x4096xi32>
    %add3A_140 = arith.constant 4096 : i32
    %add3A_141 = vector.broadcast %add3A_140 : i32 to vector<32x4096xi32>
    %add3A_142 = arith.addi %iota3A_139, %add3A_141 : vector<32x4096xi32>
    %gt3A_143 = vector.broadcast %max3A_121 : vector<32x1xf32> to vector<32x4096xf32>
    %gt3A_144 = arith.cmpf ogt, %get3A_138, %gt3A_143 : vector<32x4096xf32>
    %eq3A_145 = vector.broadcast %max3A_121 : vector<32x1xf32> to vector<32x4096xf32>
    %eq3A_146 = arith.cmpf oeq, %get3A_138, %eq3A_145 : vector<32x4096xf32>
    %lt3A_147 = vector.broadcast %get3A_2 : vector<32x1xi32> to vector<32x4096xi32>
    %lt3A_148 = arith.cmpi slt, %add3A_142, %lt3A_147 : vector<32x4096xi32>
    %and3A_149 = arith.andi %eq3A_146, %lt3A_148 : vector<32x4096xi1>
    %or3A_150 = arith.ori %gt3A_144, %and3A_149 : vector<32x4096xi1>
    %convert_element_type3A_151 = arith.extui %or3A_150 : vector<32x4096xi1> to vector<32x4096xi32>
    %convert_element_type3A_152 = arith.sitofp %convert_element_type3A_151 : vector<32x4096xi32> to vector<32x4096xf32>
    %reduce_sum3A_153 = arith.constant dense<0.000000e+00> : vector<32xf32>
    %reduce_sum3A_154 = vector.multi_reduction <add>, %convert_element_type3A_152, %reduce_sum3A_153 [1] : vector<32x4096xf32> to vector<32xf32>
    %broadcast_in_dim3A_155 = vector.shape_cast %reduce_sum3A_154 : vector<32xf32> to vector<32x1xf32>
    %get3A_156 = arith.constant 0 : index
    %get3A_157 = arith.constant 8192 : index
    %get3A_158 = vector.load %arg1[%get3A_156, %get3A_157] : memref<32x32768xf32, #tpu.memory_space<vmem>>, vector<32x4096xf32>
    %iota3A_159 = tpu.iota {dimensions = array<i32: 1>} : vector<32x4096xi32>
    %add3A_160 = arith.constant 8192 : i32
    %add3A_161 = vector.broadcast %add3A_160 : i32 to vector<32x4096xi32>
    %add3A_162 = arith.addi %iota3A_159, %add3A_161 : vector<32x4096xi32>
    %gt3A_163 = vector.broadcast %max3A_121 : vector<32x1xf32> to vector<32x4096xf32>
    %gt3A_164 = arith.cmpf ogt, %get3A_158, %gt3A_163 : vector<32x4096xf32>
    %eq3A_165 = vector.broadcast %max3A_121 : vector<32x1xf32> to vector<32x4096xf32>
    %eq3A_166 = arith.cmpf oeq, %get3A_158, %eq3A_165 : vector<32x4096xf32>
    %lt3A_167 = vector.broadcast %get3A_2 : vector<32x1xi32> to vector<32x4096xi32>
    %lt3A_168 = arith.cmpi slt, %add3A_162, %lt3A_167 : vector<32x4096xi32>
    %and3A_169 = arith.andi %eq3A_166, %lt3A_168 : vector<32x4096xi1>
    %or3A_170 = arith.ori %gt3A_164, %and3A_169 : vector<32x4096xi1>
    %convert_element_type3A_171 = arith.extui %or3A_170 : vector<32x4096xi1> to vector<32x4096xi32>
    %convert_element_type3A_172 = arith.sitofp %convert_element_type3A_171 : vector<32x4096xi32> to vector<32x4096xf32>
    %reduce_sum3A_173 = arith.constant dense<0.000000e+00> : vector<32xf32>
    %reduce_sum3A_174 = vector.multi_reduction <add>, %convert_element_type3A_172, %reduce_sum3A_173 [1] : vector<32x4096xf32> to vector<32xf32>
    %broadcast_in_dim3A_175 = vector.shape_cast %reduce_sum3A_174 : vector<32xf32> to vector<32x1xf32>
    %get3A_176 = arith.constant 0 : index
    %get3A_177 = arith.constant 12288 : index
    %get3A_178 = vector.load %arg1[%get3A_176, %get3A_177] : memref<32x32768xf32, #tpu.memory_space<vmem>>, vector<32x4096xf32>
    %iota3A_179 = tpu.iota {dimensions = array<i32: 1>} : vector<32x4096xi32>
    %add3A_180 = arith.constant 12288 : i32
    %add3A_181 = vector.broadcast %add3A_180 : i32 to vector<32x4096xi32>
    %add3A_182 = arith.addi %iota3A_179, %add3A_181 : vector<32x4096xi32>
    %gt3A_183 = vector.broadcast %max3A_121 : vector<32x1xf32> to vector<32x4096xf32>
    %gt3A_184 = arith.cmpf ogt, %get3A_178, %gt3A_183 : vector<32x4096xf32>
    %eq3A_185 = vector.broadcast %max3A_121 : vector<32x1xf32> to vector<32x4096xf32>
    %eq3A_186 = arith.cmpf oeq, %get3A_178, %eq3A_185 : vector<32x4096xf32>
    %lt3A_187 = vector.broadcast %get3A_2 : vector<32x1xi32> to vector<32x4096xi32>
    %lt3A_188 = arith.cmpi slt, %add3A_182, %lt3A_187 : vector<32x4096xi32>
    %and3A_189 = arith.andi %eq3A_186, %lt3A_188 : vector<32x4096xi1>
    %or3A_190 = arith.ori %gt3A_184, %and3A_189 : vector<32x4096xi1>
    %convert_element_type3A_191 = arith.extui %or3A_190 : vector<32x4096xi1> to vector<32x4096xi32>
    %convert_element_type3A_192 = arith.sitofp %convert_element_type3A_191 : vector<32x4096xi32> to vector<32x4096xf32>
    %reduce_sum3A_193 = arith.constant dense<0.000000e+00> : vector<32xf32>
    %reduce_sum3A_194 = vector.multi_reduction <add>, %convert_element_type3A_192, %reduce_sum3A_193 [1] : vector<32x4096xf32> to vector<32xf32>
    %broadcast_in_dim3A_195 = vector.shape_cast %reduce_sum3A_194 : vector<32xf32> to vector<32x1xf32>
    %get3A_196 = arith.constant 0 : index
    %get3A_197 = arith.constant 16384 : index
    %get3A_198 = vector.load %arg1[%get3A_196, %get3A_197] : memref<32x32768xf32, #tpu.memory_space<vmem>>, vector<32x4096xf32>
    %iota3A_199 = tpu.iota {dimensions = array<i32: 1>} : vector<32x4096xi32>
    %add3A_200 = arith.constant 16384 : i32
    %add3A_201 = vector.broadcast %add3A_200 : i32 to vector<32x4096xi32>
    %add3A_202 = arith.addi %iota3A_199, %add3A_201 : vector<32x4096xi32>
    %gt3A_203 = vector.broadcast %max3A_121 : vector<32x1xf32> to vector<32x4096xf32>
    %gt3A_204 = arith.cmpf ogt, %get3A_198, %gt3A_203 : vector<32x4096xf32>
    %eq3A_205 = vector.broadcast %max3A_121 : vector<32x1xf32> to vector<32x4096xf32>
    %eq3A_206 = arith.cmpf oeq, %get3A_198, %eq3A_205 : vector<32x4096xf32>
    %lt3A_207 = vector.broadcast %get3A_2 : vector<32x1xi32> to vector<32x4096xi32>
    %lt3A_208 = arith.cmpi slt, %add3A_202, %lt3A_207 : vector<32x4096xi32>
    %and3A_209 = arith.andi %eq3A_206, %lt3A_208 : vector<32x4096xi1>
    %or3A_210 = arith.ori %gt3A_204, %and3A_209 : vector<32x4096xi1>
    %convert_element_type3A_211 = arith.extui %or3A_210 : vector<32x4096xi1> to vector<32x4096xi32>
    %convert_element_type3A_212 = arith.sitofp %convert_element_type3A_211 : vector<32x4096xi32> to vector<32x4096xf32>
    %reduce_sum3A_213 = arith.constant dense<0.000000e+00> : vector<32xf32>
    %reduce_sum3A_214 = vector.multi_reduction <add>, %convert_element_type3A_212, %reduce_sum3A_213 [1] : vector<32x4096xf32> to vector<32xf32>
    %broadcast_in_dim3A_215 = vector.shape_cast %reduce_sum3A_214 : vector<32xf32> to vector<32x1xf32>
    %get3A_216 = arith.constant 0 : index
    %get3A_217 = arith.constant 20480 : index
    %get3A_218 = vector.load %arg1[%get3A_216, %get3A_217] : memref<32x32768xf32, #tpu.memory_space<vmem>>, vector<32x4096xf32>
    %iota3A_219 = tpu.iota {dimensions = array<i32: 1>} : vector<32x4096xi32>
    %add3A_220 = arith.constant 20480 : i32
    %add3A_221 = vector.broadcast %add3A_220 : i32 to vector<32x4096xi32>
    %add3A_222 = arith.addi %iota3A_219, %add3A_221 : vector<32x4096xi32>
    %gt3A_223 = vector.broadcast %max3A_121 : vector<32x1xf32> to vector<32x4096xf32>
    %gt3A_224 = arith.cmpf ogt, %get3A_218, %gt3A_223 : vector<32x4096xf32>
    %eq3A_225 = vector.broadcast %max3A_121 : vector<32x1xf32> to vector<32x4096xf32>
    %eq3A_226 = arith.cmpf oeq, %get3A_218, %eq3A_225 : vector<32x4096xf32>
    %lt3A_227 = vector.broadcast %get3A_2 : vector<32x1xi32> to vector<32x4096xi32>
    %lt3A_228 = arith.cmpi slt, %add3A_222, %lt3A_227 : vector<32x4096xi32>
    %and3A_229 = arith.andi %eq3A_226, %lt3A_228 : vector<32x4096xi1>
    %or3A_230 = arith.ori %gt3A_224, %and3A_229 : vector<32x4096xi1>
    %convert_element_type3A_231 = arith.extui %or3A_230 : vector<32x4096xi1> to vector<32x4096xi32>
    %convert_element_type3A_232 = arith.sitofp %convert_element_type3A_231 : vector<32x4096xi32> to vector<32x4096xf32>
    %reduce_sum3A_233 = arith.constant dense<0.000000e+00> : vector<32xf32>
    %reduce_sum3A_234 = vector.multi_reduction <add>, %convert_element_type3A_232, %reduce_sum3A_233 [1] : vector<32x4096xf32> to vector<32xf32>
    %broadcast_in_dim3A_235 = vector.shape_cast %reduce_sum3A_234 : vector<32xf32> to vector<32x1xf32>
    %get3A_236 = arith.constant 0 : index
    %get3A_237 = arith.constant 24576 : index
    %get3A_238 = vector.load %arg1[%get3A_236, %get3A_237] : memref<32x32768xf32, #tpu.memory_space<vmem>>, vector<32x4096xf32>
    %iota3A_239 = tpu.iota {dimensions = array<i32: 1>} : vector<32x4096xi32>
    %add3A_240 = arith.constant 24576 : i32
    %add3A_241 = vector.broadcast %add3A_240 : i32 to vector<32x4096xi32>
    %add3A_242 = arith.addi %iota3A_239, %add3A_241 : vector<32x4096xi32>
    %gt3A_243 = vector.broadcast %max3A_121 : vector<32x1xf32> to vector<32x4096xf32>
    %gt3A_244 = arith.cmpf ogt, %get3A_238, %gt3A_243 : vector<32x4096xf32>
    %eq3A_245 = vector.broadcast %max3A_121 : vector<32x1xf32> to vector<32x4096xf32>
    %eq3A_246 = arith.cmpf oeq, %get3A_238, %eq3A_245 : vector<32x4096xf32>
    %lt3A_247 = vector.broadcast %get3A_2 : vector<32x1xi32> to vector<32x4096xi32>
    %lt3A_248 = arith.cmpi slt, %add3A_242, %lt3A_247 : vector<32x4096xi32>
    %and3A_249 = arith.andi %eq3A_246, %lt3A_248 : vector<32x4096xi1>
    %or3A_250 = arith.ori %gt3A_244, %and3A_249 : vector<32x4096xi1>
    %convert_element_type3A_251 = arith.extui %or3A_250 : vector<32x4096xi1> to vector<32x4096xi32>
    %convert_element_type3A_252 = arith.sitofp %convert_element_type3A_251 : vector<32x4096xi32> to vector<32x4096xf32>
    %reduce_sum3A_253 = arith.constant dense<0.000000e+00> : vector<32xf32>
    %reduce_sum3A_254 = vector.multi_reduction <add>, %convert_element_type3A_252, %reduce_sum3A_253 [1] : vector<32x4096xf32> to vector<32xf32>
    %broadcast_in_dim3A_255 = vector.shape_cast %reduce_sum3A_254 : vector<32xf32> to vector<32x1xf32>
    %get3A_256 = arith.constant 0 : index
    %get3A_257 = arith.constant 28672 : index
    %get3A_258 = vector.load %arg1[%get3A_256, %get3A_257] : memref<32x32768xf32, #tpu.memory_space<vmem>>, vector<32x4096xf32>
    %iota3A_259 = tpu.iota {dimensions = array<i32: 1>} : vector<32x4096xi32>
    %add3A_260 = arith.constant 28672 : i32
    %add3A_261 = vector.broadcast %add3A_260 : i32 to vector<32x4096xi32>
    %add3A_262 = arith.addi %iota3A_259, %add3A_261 : vector<32x4096xi32>
    %gt3A_263 = vector.broadcast %max3A_121 : vector<32x1xf32> to vector<32x4096xf32>
    %gt3A_264 = arith.cmpf ogt, %get3A_258, %gt3A_263 : vector<32x4096xf32>
    %eq3A_265 = vector.broadcast %max3A_121 : vector<32x1xf32> to vector<32x4096xf32>
    %eq3A_266 = arith.cmpf oeq, %get3A_258, %eq3A_265 : vector<32x4096xf32>
    %lt3A_267 = vector.broadcast %get3A_2 : vector<32x1xi32> to vector<32x4096xi32>
    %lt3A_268 = arith.cmpi slt, %add3A_262, %lt3A_267 : vector<32x4096xi32>
    %and3A_269 = arith.andi %eq3A_266, %lt3A_268 : vector<32x4096xi1>
    %or3A_270 = arith.ori %gt3A_264, %and3A_269 : vector<32x4096xi1>
    %convert_element_type3A_271 = arith.extui %or3A_270 : vector<32x4096xi1> to vector<32x4096xi32>
    %convert_element_type3A_272 = arith.sitofp %convert_element_type3A_271 : vector<32x4096xi32> to vector<32x4096xf32>
    %reduce_sum3A_273 = arith.constant dense<0.000000e+00> : vector<32xf32>
    %reduce_sum3A_274 = vector.multi_reduction <add>, %convert_element_type3A_272, %reduce_sum3A_273 [1] : vector<32x4096xf32> to vector<32xf32>
    %broadcast_in_dim3A_275 = vector.shape_cast %reduce_sum3A_274 : vector<32xf32> to vector<32x1xf32>
    %add3A_276 = arith.addf %broadcast_in_dim3A_135, %broadcast_in_dim3A_155 : vector<32x1xf32>
    %add3A_277 = arith.addf %add3A_276, %broadcast_in_dim3A_175 : vector<32x1xf32>
    %add3A_278 = arith.addf %add3A_277, %broadcast_in_dim3A_195 : vector<32x1xf32>
    %add3A_279 = arith.addf %add3A_278, %broadcast_in_dim3A_215 : vector<32x1xf32>
    %add3A_280 = arith.addf %add3A_279, %broadcast_in_dim3A_235 : vector<32x1xf32>
    %add3A_281 = arith.addf %add3A_280, %broadcast_in_dim3A_255 : vector<32x1xf32>
    %add3A_282 = arith.addf %add3A_281, %broadcast_in_dim3A_275 : vector<32x1xf32>
    %lt3A_283 = arith.constant 1.000000e+00 : f32
    %lt3A_284 = vector.broadcast %lt3A_283 : f32 to vector<32x1xf32>
    %lt3A_285 = arith.cmpf olt, %add3A_282, %lt3A_284 : vector<32x1xf32>
    %convert_element_type3A_286 = arith.extui %lt3A_285 : vector<32x1xi1> to vector<32x1xi32>
    %convert_element_type3A_287 = arith.sitofp %convert_element_type3A_286 : vector<32x1xi32> to vector<32x1xf32>
    %reduce_sum3A_288 = vector.shape_cast %convert_element_type3A_287 : vector<32x1xf32> to vector<1x32x1xf32>
    %reduce_sum3A_289 = arith.constant dense<0.000000e+00> : vector<1xf32>
    %reduce_sum3A_290 = vector.multi_reduction <add>, %reduce_sum3A_288, %reduce_sum3A_289 [1, 2] : vector<1x32x1xf32> to vector<1xf32>
    %reduce_sum3A_291 = vector.shape_cast %reduce_sum3A_290 : vector<1xf32> to vector<1x1x1xf32>
    %reduce_sum3A_292 = vector.extract %reduce_sum3A_291[0, 0, 0] : f32 from vector<1x1x1xf32>
    %reshape3A = vector.broadcast %reduce_sum3A_292 : f32 to vector<1x1xf32>
    %mul3A_293 = arith.constant 7.812500e-01 : f32
    %mul3A_294 = vector.broadcast %mul3A_293 : f32 to vector<1x1xf32>
    %mul3A_295 = arith.mulf %reshape3A, %mul3A_294 : vector<1x1xf32>
    %lt3A_296 = arith.constant 5.000000e+00 : f32
    %lt3A_297 = vector.broadcast %lt3A_296 : f32 to vector<32x1xf32>
    %lt3A_298 = arith.cmpf olt, %add3A_282, %lt3A_297 : vector<32x1xf32>
    %convert_element_type3A_299 = arith.extui %lt3A_298 : vector<32x1xi1> to vector<32x1xi32>
    %convert_element_type3A_300 = arith.sitofp %convert_element_type3A_299 : vector<32x1xi32> to vector<32x1xf32>
    %reduce_sum3A_301 = vector.shape_cast %convert_element_type3A_300 : vector<32x1xf32> to vector<1x32x1xf32>
    %reduce_sum3A_302 = arith.constant dense<0.000000e+00> : vector<1xf32>
    %reduce_sum3A_303 = vector.multi_reduction <add>, %reduce_sum3A_301, %reduce_sum3A_302 [1, 2] : vector<1x32x1xf32> to vector<1xf32>
    %reduce_sum3A_304 = vector.shape_cast %reduce_sum3A_303 : vector<1xf32> to vector<1x1x1xf32>
    %reduce_sum3A_305 = vector.extract %reduce_sum3A_304[0, 0, 0] : f32 from vector<1x1x1xf32>
    %reshape3A_306 = vector.broadcast %reduce_sum3A_305 : f32 to vector<1x1xf32>
    %mul3A_307 = arith.constant 7.812500e-01 : f32
    %mul3A_308 = vector.broadcast %mul3A_307 : f32 to vector<1x1xf32>
    %mul3A_309 = arith.mulf %reshape3A_306, %mul3A_308 : vector<1x1xf32>
    %eq3A_310 = arith.constant 0 : i32
    %eq3A_311 = arith.cmpi eq, %arg0, %eq3A_310 : i32
    %convert_element_type3A_312 = arith.extui %eq3A_311 : i1 to i32
    %cond3A = arith.constant 0 : i32
    %cond3A_313 = arith.cmpi ne, %convert_element_type3A_312, %cond3A : i32
    scf.if %cond3A_313 {
      %swap3A = arith.constant 0 : index
      %swap3A_318 = arith.constant 0 : index
      %swap3A_319 = vector.load %arg3[%swap3A, %swap3A_318] : memref<1x1xf32, #tpu.memory_space<vmem>>, vector<1x1xf32>
      tpu.vector_store %arg3[%swap3A, %swap3A_318], %mul3A_295 {strides = array<i32>} : memref<1x1xf32, #tpu.memory_space<vmem>>, vector<1x1xf32>,
      %swap3A_320 = arith.constant 0 : index
      %swap3A_321 = arith.constant 0 : index
      %swap3A_322 = vector.load %arg4[%swap3A_320, %swap3A_321] : memref<1x1xf32, #tpu.memory_space<vmem>>, vector<1x1xf32>
      tpu.vector_store %arg4[%swap3A_320, %swap3A_321], %mul3A_309 {strides = array<i32>} : memref<1x1xf32, #tpu.memory_space<vmem>>, vector<1x1xf32>,
    } else {
    }
    %ne3A = arith.constant 0 : i32
    %ne3A_314 = arith.cmpi ne, %arg0, %ne3A : i32
    %convert_element_type3A_315 = arith.extui %ne3A_314 : i1 to i32
    %cond3A_316 = arith.constant 0 : i32
    %cond3A_317 = arith.cmpi ne, %convert_element_type3A_315, %cond3A_316 : i32
    scf.if %cond3A_317 {
      %get3A_318 = arith.constant 0 : index
      %get3A_319 = arith.constant 0 : index
      %get3A_320 = vector.load %arg3[%get3A_318, %get3A_319] : memref<1x1xf32, #tpu.memory_space<vmem>>, vector<1x1xf32>
      %add3A_321 = arith.addf %get3A_320, %mul3A_295 : vector<1x1xf32>
      %swap3A = arith.constant 0 : index
      %swap3A_322 = arith.constant 0 : index
      %swap3A_323 = vector.load %arg3[%swap3A, %swap3A_322] : memref<1x1xf32, #tpu.memory_space<vmem>>, vector<1x1xf32>
      tpu.vector_store %arg3[%swap3A, %swap3A_322], %add3A_321 {strides = array<i32>} : memref<1x1xf32, #tpu.memory_space<vmem>>, vector<1x1xf32>,
      %get3A_324 = arith.constant 0 : index
      %get3A_325 = arith.constant 0 : index
      %get3A_326 = vector.load %arg4[%get3A_324, %get3A_325] : memref<1x1xf32, #tpu.memory_space<vmem>>, vector<1x1xf32>
      %add3A_327 = arith.addf %get3A_326, %mul3A_309 : vector<1x1xf32>
      %swap3A_328 = arith.constant 0 : index
      %swap3A_329 = arith.constant 0 : index
      %swap3A_330 = vector.load %arg4[%swap3A_328, %swap3A_329] : memref<1x1xf32, #tpu.memory_space<vmem>>, vector<1x1xf32>
      tpu.vector_store %arg4[%swap3A_328, %swap3A_329], %add3A_327 {strides = array<i32>} : memref<1x1xf32, #tpu.memory_space<vmem>>, vector<1x1xf32>,
    } else {
    }
    return
  }
  func.func @transform_0(%arg0: i32) -> (i32, i32) {
    %c0_i32 = arith.constant 0 : i32
    %c0_i32_0 = arith.constant 0 : i32
    return %arg0, %c0_i32 : i32, i32
  }
  func.func @transform_1(%arg0: i32) -> (i32, i32) {
    %c0_i32 = arith.constant 0 : i32
    %c0_i32_0 = arith.constant 0 : i32
    %c0_i32_1 = arith.constant 0 : i32
    return %c0_i32, %c0_i32_0 : i32, i32
  }
  func.func @transform_2(%arg0: i32) -> (i32, i32) {
    %c0_i32 = arith.constant 0 : i32
    %c0_i32_0 = arith.constant 0 : i32
    %c0_i32_1 = arith.constant 0 : i32
    return %c0_i32, %c0_i32_0 : i32, i32
  }
  func.func @transform_3(%arg0: i32) -> (i32, i32) {
    %c0_i32 = arith.constant 0 : i32
    %c0_i32_0 = arith.constant 0 : i32
    %c0_i32_1 = arith.constant 0 : i32
    return %c0_i32, %c0_i32_0 : i32, i32
  }
}

</mosaic_0001>

<sc_bundles>
// kernel: kernel.4.cloned.1.call-start
scs
__scs_entry_jumppad:
0x0: {  	(pc) =	sbr.rel $0x88, $3  }
0x1: {  	(tag) =	ssettag $0x0;
	lr =	simm.s32 $0x1  }
0x2: {  	[smem:$0x3F9F] =	sst lr;
	_ =	strace $0xD0000000  }
0x3: {  	_ = 	snop  }
0x4: {  	_ = 	snop  }
0x5: {  	_ = 	snop  }
0x6: {  	_ = 	snop  }
0x7: {  	_ = 	snop  }
__scs_overlays_trampoline_lowered:
0x8: {  	[smem:$0x3FAE] =	sst s0  }
0x9: {  	[smem:$0x3FAF] =	sst s1  }
0xa: {  	[smem:$0x3FB0] =	sst s2  }
0xb: {  	[smem:$0x3FB1] =	sst s3  }
0xc: {  	[smem:$0x3FB2] =	sst s4  }
0xd: {  	[smem:$0x3FB3] =	sst s5  }
0xe: {  	[smem:$0x3FB4] =	sst s6  }
0xf: {  	[smem:$0x3FB5] =	sst s7  }
0x10: {  	[smem:$0x3FB6] =	sst s8  }
0x11: {  	[smem:$0x3FB7] =	sst s9;
	s0 =	simm.s32 @!p0 $0x0  }
0x12: {  	s1 =	sld [smem:$0x3F9D];
	s0 =	simm.s32 @p0 $0x1  }
0x13: {  	[smem:$0x3FB8] =	sst s0;
	s0 =	simm.s32 @!p1 $0x0  }
0x14: {  	s2 =	sld [smem:$0x3F9C];
	s0 =	simm.s32 @p1 $0x1  }
0x15: {  	[smem:$0x3FB9] =	sst s0;
	s0 =	simm.s32 @!p2 $0x0  }
0x16: {  	s3 =	sld [smem:$0x3FDB];
	s0 =	simm.s32 @p2 $0x1  }
0x17: {  	s4 =	simm.s32 $0x1BF5;
	[smem:$0x3FBB] =	sst s0  }
0x18: {  	s0 =	sld [smem:$0x3F9E];
	_ =	swait.ge [sflag:s4], $0x0  }
0x19: {  	s7 =	sld [smem:$0x3F9F]  }
0x1a: {  	s8 =	sadd.s32 $0xFFFFE003, lr  }
0x1b: {  	s9 =	sadd.s32 $0xFFFFFEF7, lr;
	s5 =	simm.s32 $0xFFFFFFFF;
	p2 =	slt.u32 s8, $0xFFFFF086  }
0x1c: {  	p1 =	slt.u32 s9, $0xF7A;
	s5 =	simm.s32 @!p2 $0x0  }
0x1d: {  	s5 =	simm.s32 @p1 $0x1;
	p0 =	seq.s32 s7, s2  }
0x1e: {  	s7 =	smul.u32 @!p0 $0xF7A, s2;
	p2 =	seq.s32 @!p0 s5, $0x0  }
0x1f: {  	s9 =	smul.u32 $0xF7A, s1;
	s8 =	simm.s32 @!p0 $0x1BF5;
	p2 =	por !p2, p0  }
0x20: {  	[sflag:s8] =	ssyncset.s32 @!p0 $0xFFFFF086;
	s6 =	sadd.s32 @!p0 s3, s7;
	s7 =	simm.s32 @!p0 $0x108  }
0x21: {  	s3 =	sadd.s32 s3, s9;
	s6 =	sadd.s32 @!p0 $0x88, s6;
	s7 =	simm.s32 @p2 $0x1082  }
0x22: {  	[simem:s7], [sflag:s8] =	dma.local @!p0 [hbm:s6], $0xF7A  }
0x23: {  	s9 =	sor.u32 $0xD0000000, s2;
	s6 =	simm.s32 $0x108;
	_ =	swait.ge @!p0 [sflag:s8], $0x0  }
0x24: {  	s3 =	sadd.s32 $0x88, s3;
	s6 =	simm.s32 @!p1 $0x1082;
	[sflag:s4] =	ssyncset.s32 $0xFFFFF086  }
0x25: {  	[simem:s6], [sflag:s4] =	dma.local [hbm:s3], $0xF7A  }
0x26: {  	[smem:$0x3F9F] =	sst s1;
	(tag) =	ssettag s2;
	_ =	strace s9  }
0x27: {  	s1 =	sld [smem:$0x3FAF]  }
0x28: {  	s2 =	sld [smem:$0x3FB0]  }
0x29: {  	s4 =	sld [smem:$0x3FB2]  }
0x2a: {  	p0 =	seq.s32 s5, $0x0;
	s5 =	sld [smem:$0x3FB3]  }
0x2b: {  	s6 =	sld [smem:$0x3FB4]  }
0x2c: {  	s7 =	sld [smem:$0x3FB5]  }
0x2d: {  	s3 =	simm.s32 $0x108;
	s8 =	sld [smem:$0x3FB6]  }
0x2e: {  	s3 =	simm.s32 @!p0 $0x1082;
	s9 =	sld [smem:$0x3FB7]  }
0x2f: {  	lr =	sadd.s32 s0, s3;
	s0 =	sld [smem:$0x3FAE]  }
0x30: {  	s3 =	sld [smem:$0x3FB1]  }
0x31: {  	[smem:$0x3FBA] =	sst s10  }
0x32: {  	s10 =	sld [smem:$0x3FB8];
	_ =	sdelay $0x3  }
0x33: {  	p0 =	seq.s32 s10, $0x1;
	s10 =	sld [smem:$0x3FBA];
	_ =	sdelay $0x3  }
0x34: {  	[smem:$0x3FBA] =	sst s10  }
0x35: {  	s10 =	sld [smem:$0x3FB9];
	_ =	sdelay $0x3  }
0x36: {  	p1 =	seq.s32 s10, $0x1;
	s10 =	sld [smem:$0x3FBA];
	_ =	sdelay $0x3  }
0x37: {  	[smem:$0x3FBA] =	sst s10  }
0x38: {  	s10 =	sld [smem:$0x3FBB]  }
0x39: {  	_ = 	snop;
	(pc) =	sbr.ind lr, $3  }
0x3a: {  	_ = 	snop  }
0x3b: {  	_ = 	snop  }
0x3c: {  	p2 =	seq.s32 s10, $0x1;
	s10 =	sld [smem:$0x3FBA]  }
0x3d: {  	_ =	shalt  }
0x3e: {  	_ =	shalt  }
0x3f: {  	_ =	shalt  }
0x40: {  	_ =	shalt  }
0x41: {  	_ =	shalt  }
0x42: {  	_ =	shalt  }
0x43: {  	_ =	shalt  }
0x44: {  	_ =	shalt  }
0x45: {  	_ =	shalt  }
0x46: {  	_ =	shalt  }
0x47: {  	_ =	shalt  }
0x48: {  	_ =	shalt  }
0x49: {  	_ =	shalt  }
0x4a: {  	_ =	shalt  }
0x4b: {  	_ =	shalt  }
0x4c: {  	_ =	shalt  }
0x4d: {  	_ =	shalt  }
0x4e: {  	_ =	shalt  }
0x4f: {  	_ =	shalt  }
0x50: {  	_ =	shalt  }
0x51: {  	_ =	shalt  }
0x52: {  	_ =	shalt  }
0x53: {  	_ =	shalt  }
0x54: {  	_ =	shalt  }
0x55: {  	_ =	shalt  }
0x56: {  	_ =	shalt  }
0x57: {  	_ =	shalt  }
0x58: {  	_ =	shalt  }
0x59: {  	_ =	shalt  }
0x5a: {  	_ =	shalt  }
0x5b: {  	_ =	shalt  }
0x5c: {  	_ =	shalt  }
0x5d: {  	_ =	shalt  }
0x5e: {  	_ =	shalt  }
0x5f: {  	_ =	shalt  }
0x60: {  	_ =	shalt  }
0x61: {  	_ =	shalt  }
0x62: {  	_ =	shalt  }
0x63: {  	_ =	shalt  }
0x64: {  	_ =	shalt  }
0x65: {  	_ =	shalt  }
0x66: {  	_ =	shalt  }
0x67: {  	_ =	shalt  }
0x68: {  	_ =	shalt  }
0x69: {  	_ =	shalt  }
0x6a: {  	_ =	shalt  }
0x6b: {  	_ =	shalt  }
0x6c: {  	_ =	shalt  }
0x6d: {  	_ =	shalt  }
0x6e: {  	_ =	shalt  }
0x6f: {  	_ =	shalt  }
0x70: {  	_ =	shalt  }
0x71: {  	_ =	shalt  }
0x72: {  	_ =	shalt  }
0x73: {  	_ =	shalt  }
0x74: {  	_ =	shalt  }
0x75: {  	_ =	shalt  }
0x76: {  	_ =	shalt  }
0x77: {  	_ =	shalt  }
0x78: {  	_ =	shalt  }
0x79: {  	_ =	shalt  }
0x7a: {  	_ =	shalt  }
0x7b: {  	_ =	shalt  }
0x7c: {  	_ =	shalt  }
0x7d: {  	_ =	shalt  }
0x7e: {  	_ =	shalt  }
0x7f: {  	_ =	shalt  }
0x80: {  	_ =	shalt  }
0x81: {  	_ =	shalt  }
0x82: {  	_ =	shalt  }
0x83: {  	_ =	shalt  }
0x84: {  	_ =	shalt  }
0x85: {  	_ =	shalt  }
0x86: {  	_ =	shalt  }
0x87: {  	_ =	shalt  }
.Lfunc_end0:
.L_simem_size_0:
called_computation_lowered:
.L_overlay_start_0:
0x88: {  	s2 =	sld [smem:$0x3FD9]  }
0x89: {  	s3 =	sld [smem:$0x3FFE];
	_ =	sdelay $0x1  }
0x8a: {  	s1 =	srdreg.scid  }
0x8b: {  	s0 =	sand.u32 $0x1, s1  }
0x8c: {  	s17 =	sshll.u32 s0, $0xA;
	s2 =	sadd.s32 s3, s2  }
0x8d: {  	s2 =	sadd.s32 s2, s17  }
0x8e: {  	[smem:$0x3FC6] =	sst s2  }
0x8f: {  	_ = 	snop  }
0x90: {  	s2 =	sld [smem:$0x3FC9];
	(tm) =	ssettm $0x1  }
0x91: {  	s18 =	sld [smem:$0x3FFB];
	_ =	sdelay $0x3  }
0x92: {  	_ =	strace s18  }
0x93: {  	s3 =	sld [smem:$0x3FFC];
	_ =	sdelay $0x3  }
0x94: {  	_ =	strace s3  }
0x95: {  	s3 =	sld [smem:$0x3FFD];
	_ =	sdelay $0x3  }
0x96: {  	_ =	strace s3  }
0x97: {  	_ =	strace $0x8FFFFFFF  }
0x98: {  	s19 =	sld [smem:$0x3FDB];
	_ =	sdelay $0x1  }
0x99: {  	s4 =	simm.s32 $_scs_section_size  }
0x9a: {  	s5 =	simm.s32 $_size__tile_overlayer_lowered;
	s6 =	simm.s32 $_tile_overlayer_lowered  }
0x9b: {  	s22 =	simm.s32 $0x1BFF;
	s21 =	sshll.u32 s6, $0x1;
	s3 =	sadd.s32 s4, s19  }
0x9c: {  	s7 =	simm.s32 $0x0;
	s20 =	sshll.u32 s5, $0x1;
	s5 =	sadd.s32 s21, s3  }
0x9d: {  	[timem:s7], [sflag:s22] =	dma.local [hbm:s5], s20  }
0x9e: {  	_ =	swait.ge [sflag:s22], s20  }
0x9f: {  	s4 =	ssub.s32 $0x0, s20;
	[sflag:s22] =	ssyncset.done $0x0  }
0xa0: {  	[sflag:s22] =	ssyncadd.s32 s4;
	_ =	sdelay $0x1  }
0xa1: {  	s23 =	simm.s32 $0x1B8B  }
0xa2: {  	_ =	swait.ge [sflag:s23], $0x1  }
0xa3: {  	[sflag:s23] =	ssyncset.done $0x0  }
0xa4: {  	s25 =	simm.s32 $0x1B8E;
	s24 =	sld [smem:$0x3FFE];
	[sflag:s23] =	ssyncadd.s32 $0xFFFFFFFF  }
0xa5: {  	s26 =	simm.s32 $execute0_lowered;
	[smem:$0x3FD2] =	sst s25  }
0xa6: {  	s5 =	sshll.u32 s26, $0x1;
	_ =	strace $0x80000046;
	[dreg:$0x1] =	wrdreg $0xFFFFFFFF  }
0xa7: {  	s28 =	simm.s32 $_size_execute0_lowered;
	s3 =	sadd.s32 s3, s5;
	[dreg:$0x0] =	wrdreg $0x0  }
0xa8: {  	s5 =	sshll.u32 s28, $0x1;
	[dreg:$0x2] =	wrdreg s3  }
0xa9: {  	[dreg:$0x3] =	wrdreg s5  }
0xaa: {  	[dreg:$0x4] =	wrdreg $0xC0  }
0xab: {  	_ =	task [dreg:s7], $0x5FFFF  }
0xac: {  	[dreg:$0x1] =	wrdreg $0xFFFFFFFF  }
0xad: {  	[dreg:$0x0] =	wrdreg $0x60  }
0xae: {  	[dreg:$0x2] =	wrdreg s2  }
0xaf: {  	[dreg:$0x3] =	wrdreg s24  }
0xb0: {  	[dreg:$0x4] =	wrdreg $0x9  }
0xb1: {  	_ =	task.clear_ibuf [dreg:s7], $0x5FFFF;
	_ =	strace $0x90000046  }
0xb2: {  	s29 =	simm.s32 $0x9;
	_ =	strace $0x80000048  }
0xb3: {  	_ =	swait.ge [sflag:s29], $0x1  }
0xb4: {  	[sflag:s29] =	ssyncadd.s32 $0xFFFFFFFF  }
0xb5: {  	_ =	strace $0x90000048  }
0xb6: {  	_ =	sfence  }
0xb7: {  	s30 =	sld [smem:$0x0];
	_ =	sdelay $0x2  }
0xb8: {  	s31 =	sshll.u32 s1, $0xD;
	s1 =	sshrl.u32 s1, $0x2  }
0xb9: {  	s3 =	sand.u32 $0x4000, s31;
	s1 =	sadd.s32 s1, s30  }
0xba: {  	s0 =	sor.u32 s3, s0;
	s1 =	sshll.u32 s1, $0x11  }
0xbb: {  	s0 =	sor.u32 s1, s0  }
0xbc: {  	s0 =	sadd.s32 $0x8F2B, s0  }
0xbd: {  	[sflag:s0] =	ssyncadd.remote.s32 $0x1  }
0xbe: {  	_ =	sfence.sel $0xFFFF  }
0xbf: {  	[dreg:$0x0] =	wrdreg $0xFFFFFFFF;
	(pc) =	sbr.abs _section_cstart, $3  }
0xc0: {  	[dreg:$0x1] =	wrdreg $0xFFFFFFFF  }
0xc1: {  	_ =	task.clear_ibuf [dreg:s7], $0x2FFFF;
	_ =	strace $0x9FFFFFFF  }
0xc2: {  	(tm) =	ssettm $0x7FFFFFFF  }
0xc3: {  	_ =	shalt  }
tec
execute0_lowered:
.L_overlay_start_1:
0x0: {  	(tag) =	ssettag $0x1  }
0x1: {  	s3 =	rddreg [dreg:$0x0]  }
0x2: {  	s4 =	rddreg [dreg:$0x1]  }
0x3: {  	s0 =	rddreg [dreg:$0x2]  }
0x4: {  	s5 =	srdreg.scid;
	s1 =	stileid.u32  }
0x5: {  	s2 =	simm.s32 $0x0;
	s10 =	simm.s32 $0x8000;
	s11 =	simm.s32 $0x8080  }
0x6: {  	s12 =	simm.s32 $0x0;
	s5 =	sand.u32 $0x1, s5;
	s6 =	sshll.u32 s1, $0x8  }
0x7: {  	s9 =	sshll.u32 s1, $0x10;
	[smem:$0x7FF] =	sst s2;
	s7 =	sshll.u32 s5, $0x7  }
0x8: {  	s8 =	sand.u32 $0x300, s6;
	s28 =	sand.u32 $0xC0000, s9;
	_ =	strace $0x80000047  }
0x9: {  	s6 =	sand.u32 $0xC00, s6;
	s5 =	ssub.s32 $0x2, s5;
	s7 =	sor.u32 s7, s8  }
0xa: {  	s9 =	simm.s32 $0x1;
	s30 =	sshrl.u32 s5, $0x1;
	s8 =	sor.u32 s28, s7  }
0xb: {  	s6 =	sor.u32 s6, s7;
	s31 =	ssub.s32 s5, s30;
	s29 =	sshrl.u32 s8, $0x3  }
0xc: {  	s7 =	simm.s32 $0x80;
	s6 =	sshrl.u32 s6, $0x3;
	s3 =	sadd.s32 s29, s3  }
0xd: {  	s8 =	simm.s32 $0x400;
	s6 =	sadd.s32 s6, s4;
	s3 =	sadd.s32 $0x60000, s3  }
0xe: {  	v0 =	vlaneseq.u32;
	v1 =	vimm.f32 $0.0e+00;
	s4 =	sadd.s32 $0x200, s6;
	s5 =	sadd.s32 $0x400, s6;
	s6 =	smax.u32 s31, $0x1  }
.LBB2_1:
0xf: {  	[tilespmem:s2], [sflag:$0x1] =	stream.strided.gather [hbm4b:s3+s7], $0x8000, s8, s7, $0x38;
	[tilespmem:$0x8180] =	vst v63  }
0x10: {  	_ =	swait.ge [sflag:s9], $0x8000  }
0x11: {  	[sflag:s9] =	ssyncset.done $0x0  }
0x12: {  	[sflag:s9] =	ssyncadd.s32 $0xFFFF8000  }
0x13: {  	[tilespmem:s10], [sflag:$0x1] =	stream.linear.gather [hbm4b:s4+s2], $0x80, $0x38;
	[tilespmem:$0x8180] =	vst v63  }
0x14: {  	_ =	swait.ge [sflag:s9], $0x80  }
0x15: {  	[sflag:s9] =	ssyncset.done $0x0  }
0x16: {  	[sflag:s9] =	ssyncadd.s32 $0xFFFFFF80  }
0x17: {  	v3 =	vld [tilespmem:$0x8000];
	_ =	sdelay $0x4  }
0x18: {  	(v2sf) =	vpush v3, $0x0;
	_ =	sdelay $0xe  }
0x19: {  	s13 =	spop (v2sf)  }
0x1a: {  	s14 =	sand.u32 $0xFFFFFFF0, s13  }
0x1b: {  	v2 =	vld [tilespmem:s14+$0x0];
	_ =	sdelay $0x4  }
0x1c: {  	s13 =	sand.u32 $0xF, s13;
	[tilespmem:$0x8100] =	vst v2  }
0x1d: {  	s13 =	sor.u32 $0x8100, s13;
	[tilespmem:$0x8110] =	vst v2  }
0x1e: {  	s26 =	simm.s32 $0x40;
	v2 =	vld.msk [tilespmem:s13+$0x0 ss:$0x0], $0xffff  }
0x1f: {  	s28 =	simm.s32 $0x70;
	s15 =	simm.s32 $0x60;
	s29 =	simm.s32 $0x30;
	v4 =	vld [tilespmem:s26+$0xFFFFFFC0]  }
0x20: {  	s16 =	simm.s32 $0x40;
	s30 =	simm.s32 $0x50;
	v5 =	vor.u32 s28, v0;
	v6 =	vor.u32 s15, v0;
	v7 =	vor.u32 s29, v0  }
0x21: {  	s17 =	simm.s32 $0x0;
	s18 =	simm.s32 $0x10;
	s31 =	simm.s32 $0x20;
	v8 =	vor.u32 s16, v0;
	v9 =	vor.u32 s30, v0;
	vm0 =	vlt.s32 v5, v3;
	v5 =	vld [tilespmem:s26+$0xFFFFFFD0]  }
0x22: {  	v10 =	vor.u32 s17, v0;
	v11 =	vor.u32 s18, v0;
	v12 =	vor.u32 s31, v0;
	v13 =	vld [tilespmem:s26+$0xFFFFFFE0]  }
0x23: {  	vm2 =	vlt.s32 v8, v3;
	vm1 =	vlt.s32 v9, v3;
	vm4 =	vlt.s32 v10, v3  }
0x24: {  	vm5 =	vlt.s32 v7, v3;
	vm15 =	vlt.s32 v12, v3;
	vm3 =	veq.f32 v4, v2  }
0x25: {  	vm7 =	vlt.s32 v11, v3;
	vm6 =	vgt.f32 v4, v2;
	v4 =	vld [tilespmem:s26+$0xFFFFFFF0];
	vm3 =	vmand vm4, vm3  }
0x26: {  	vm9 =	veq.f32 v5, v2;
	vm10 =	vgt.f32 v5, v2;
	vm3 =	vmor vm6, vm3  }
0x27: {  	v5 =	vld [tilespmem:s26+$0x0];
	vm11 =	veq.f32 v13, v2;
	vm6 =	vmand vm7, vm9;
	v7 =	vsel vm3, $0x3F800000, v1  }
0x28: {  	vm12 =	vgt.f32 v13, v2;
	vm3 =	vmor vm10, vm6;
	v7 =	vadd.f32 v7, v1  }
0x29: {  	v63 =	vld [tilespmem:s26+$0x10];
	vm4 =	vmand vm15, vm11;
	vm11 =	vlt.s32 v6, v3;
	v8 =	vsel vm3, $0x3F800000, v1  }
0x2a: {  	vm3 =	vmor vm12, vm4;
	vm13 =	veq.f32 v4, v2;
	v7 =	vadd.f32 v8, v7  }
0x2b: {  	vm14 =	vgt.f32 v4, v2;
	v4 =	vld [tilespmem:s26+$0x20];
	v8 =	vsel vm3, $0x3F800000, v1;
	vm4 =	vmand vm5, vm13  }
0x2c: {  	vm15 =	veq.f32 v5, v2;
	vm3 =	vmor vm14, vm4;
	v7 =	vadd.f32 v8, v7  }
0x2d: {  	vm8 =	vgt.f32 v5, v2;
	v5 =	vld [tilespmem:s26+$0x30];
	vm2 =	vmand vm2, vm15;
	v8 =	vsel vm3, $0x3F800000, v1  }
0x2e: {  	vm9 =	veq.f32 v63, v2;
	vm2 =	vmor vm8, vm2;
	v7 =	vadd.f32 v8, v7  }
0x2f: {  	vm10 =	vgt.f32 v63, v2;
	vm1 =	vmand vm1, vm9;
	v8 =	vsel vm2, $0x3F800000, v1  }
0x30: {  	vm1 =	vmor vm10, vm1;
	vm12 =	veq.f32 v4, v2;
	v6 =	vadd.f32 v8, v7  }
0x31: {  	vm13 =	vgt.f32 v4, v2;
	vm2 =	vmand vm11, vm12;
	v7 =	vsel vm1, $0x3F800000, v1  }
0x32: {  	vm14 =	veq.f32 v5, v2;
	vm1 =	vmor vm13, vm2;
	v4 =	vadd.f32 v7, v6  }
0x33: {  	vm15 =	vgt.f32 v5, v2;
	vm0 =	vmand vm0, vm14;
	v5 =	vsel vm1, $0x3F800000, v1  }
0x34: {  	s14 =	simm.s32 $0xF0;
	s13 =	simm.s32 $0xC0;
	vm0 =	vmor vm15, vm0;
	v5 =	vadd.f32 v5, v4  }
0x35: {  	s16 =	simm.s32 $0xD0;
	s17 =	simm.s32 $0xE0;
	s15 =	simm.s32 $0x170;
	v6 =	vor.u32 s14, v0;
	v7 =	vsel vm0, $0x3F800000, v1;
	v4 =	vld [tilespmem:s13+$0xFFFFFFC0]  }
.LBB2_2:
0x36: {  	p0 =	sne.s32 s15, $0x7FF0;
	s18 =	sadd.s32 $0xFFFFFFC0, s14;
	s19 =	sadd.s32 $0xFFFFFFD0, s14;
	v8 =	vor.u32 s17, v0;
	vm0 =	vlt.s32 v6, v3;
	v5 =	vadd.f32 v7, v5  }
0x37: {  	s17 =	sadd.s32 $0xFFFFFF90, s14;
	s20 =	sadd.s32 $0xFFFFFFA0, s14;
	s14 =	sadd.s32 $0xFFFFFFB0, s14;
	v10 =	vor.u32 s16, v0;
	v6 =	vld [tilespmem:s13+$0xFFFFFFD0];
	v7 =	vor.u32 s18, v0;
	v9 =	vor.u32 s19, v0  }
0x38: {  	v11 =	vor.u32 s17, v0;
	v12 =	vor.u32 s20, v0;
	v13 =	vor.u32 s14, v0;
	s14 =	smov.u32 s15  }
0x39: {  	vm2 =	vlt.s32 v10, v3;
	vm1 =	vlt.s32 v8, v3;
	vm3 =	vlt.s32 v9, v3;
	v14 =	vld [tilespmem:s13+$0xFFFFFFE0]  }
0x3a: {  	vm5 =	vlt.s32 v11, v3;
	vm6 =	vlt.s32 v7, v3;
	vm4 =	veq.f32 v4, v2  }
0x3b: {  	vm7 =	vgt.f32 v4, v2;
	vm4 =	vmand vm5, vm4;
	vm5 =	vlt.s32 v13, v3;
	v4 =	vld [tilespmem:s13+$0xFFFFFFF0]  }
0x3c: {  	vm8 =	vlt.s32 v12, v3;
	vm4 =	vmor vm7, vm4;
	vm7 =	veq.f32 v6, v2  }
0x3d: {  	v7 =	vsel vm4, $0x3F800000, v1;
	vm4 =	vgt.f32 v6, v2;
	vm7 =	vmand vm8, vm7;
	v6 =	vld [tilespmem:s13+$0x0]  }
0x3e: {  	v5 =	vadd.f32 v7, v5;
	vm4 =	vmor vm4, vm7;
	vm7 =	veq.f32 v14, v2  }
0x3f: {  	v7 =	vsel vm4, $0x3F800000, v1;
	vm4 =	vgt.f32 v14, v2;
	vm5 =	vmand vm5, vm7;
	v8 =	vld [tilespmem:s13+$0x10]  }
0x40: {  	v5 =	vadd.f32 v7, v5;
	vm4 =	vmor vm4, vm5;
	vm5 =	veq.f32 v4, v2  }
0x41: {  	v7 =	vsel vm4, $0x3F800000, v1;
	vm4 =	vgt.f32 v4, v2;
	vm5 =	vmand vm6, vm5;
	v4 =	vld [tilespmem:s13+$0x20]  }
0x42: {  	v5 =	vadd.f32 v7, v5;
	vm4 =	vmor vm4, vm5;
	vm5 =	veq.f32 v6, v2  }
0x43: {  	v7 =	vsel vm4, $0x3F800000, v1;
	vm4 =	vgt.f32 v6, v2;
	vm3 =	vmand vm3, vm5;
	v6 =	vld [tilespmem:s13+$0x30]  }
0x44: {  	v5 =	vadd.f32 v7, v5;
	vm3 =	vmor vm4, vm3;
	vm4 =	veq.f32 v8, v2  }
0x45: {  	v7 =	vsel vm3, $0x3F800000, v1;
	vm3 =	vgt.f32 v8, v2;
	vm2 =	vmand vm2, vm4  }
0x46: {  	v5 =	vadd.f32 v7, v5;
	vm2 =	vmor vm3, vm2;
	vm3 =	veq.f32 v4, v2  }
.Ltmp0:
0x47: {  	v7 =	vsel vm2, $0x3F800000, v1;
	vm2 =	vgt.f32 v4, v2;
	vm1 =	vmand vm1, vm3;
	(pc) =	sbr.rel @p0 .LBB2_2-.Ltmp0, $4  }
0x48: {  	v4 =	vadd.f32 v7, v5;
	vm1 =	vmor vm2, vm1;
	vm2 =	veq.f32 v6, v2  }
0x49: {  	v5 =	vsel vm1, $0x3F800000, v1;
	vm1 =	vgt.f32 v6, v2;
	vm0 =	vmand vm0, vm2  }
0x4a: {  	s13 =	sadd.s32 $0x80, s13;
	v5 =	vadd.f32 v5, v4;
	vm0 =	vmor vm1, vm0  }
0x4b: {  	s15 =	sadd.s32 $0x80, s15;
	s16 =	sadd.s32 $0xFFFFFFE0, s14;
	s17 =	sadd.s32 $0xFFFFFFF0, s14;
	v6 =	vor.u32 s14, v0;
	v4 =	vld [tilespmem:s13+$0xFFFFFFC0];
	v7 =	vsel vm0, $0x3F800000, v1  }
0x4c: {  	s15 =	sadd.s32 $0xFFFFFFC0, s14;
	s18 =	sadd.s32 $0xFFFFFFD0, s14;
	v8 =	vor.u32 s17, v0;
	vm0 =	vlt.s32 v6, v3;
	v5 =	vadd.f32 v7, v5  }
0x4d: {  	s30 =	sadd.s32 $0xFFFFFF90, s14;
	s19 =	sadd.s32 $0xFFFFFFA0, s14;
	v51 =	vld [tilespmem:s13+$0xFFFFFFD0];
	s31 =	sadd.s32 $0xFFFFFFB0, s14;
	v10 =	vor.u32 s16, v0;
	v52 =	vor.u32 s15, v0;
	v9 =	vor.u32 s18, v0  }
0x4e: {  	v11 =	vor.u32 s30, v0;
	v12 =	vor.u32 s19, v0;
	v13 =	vor.u32 s31, v0  }
0x4f: {  	v14 =	vld [tilespmem:s13+$0xFFFFFFE0];
	vm2 =	vlt.s32 v10, v3;
	vm1 =	vlt.s32 v8, v3;
	vm3 =	vlt.s32 v9, v3  }
0x50: {  	vm5 =	vlt.s32 v11, v3;
	vm6 =	vlt.s32 v52, v3;
	vm4 =	veq.f32 v4, v2  }
0x51: {  	v53 =	vld [tilespmem:s13+$0xFFFFFFF0];
	vm14 =	vlt.s32 v13, v3;
	vm7 =	vgt.f32 v4, v2;
	vm4 =	vmand vm5, vm4  }
0x52: {  	vm8 =	vlt.s32 v12, v3;
	vm15 =	veq.f32 v51, v2;
	vm4 =	vmor vm7, vm4  }
0x53: {  	v54 =	vld [tilespmem:s13+$0x0];
	vm11 =	vgt.f32 v51, v2;
	vm7 =	vmand vm8, vm15;
	v3 =	vsel vm4, $0x3F800000, v1  }
0x54: {  	vm12 =	veq.f32 v14, v2;
	vm4 =	vmor vm11, vm7;
	v3 =	vadd.f32 v3, v5  }
0x55: {  	v56 =	vld [tilespmem:s13+$0x10];
	vm13 =	vgt.f32 v14, v2;
	vm5 =	vmand vm14, vm12;
	v55 =	vsel vm4, $0x3F800000, v1  }
0x56: {  	vm14 =	veq.f32 v53, v2;
	vm4 =	vmor vm13, vm5;
	v3 =	vadd.f32 v55, v3  }
0x57: {  	v58 =	vld [tilespmem:s13+$0x20];
	vm15 =	vgt.f32 v53, v2;
	vm5 =	vmand vm6, vm14;
	v57 =	vsel vm4, $0x3F800000, v1  }
0x58: {  	vm8 =	veq.f32 v54, v2;
	vm4 =	vmor vm15, vm5;
	v3 =	vadd.f32 v57, v3  }
0x59: {  	v60 =	vld [tilespmem:s13+$0x30];
	vm9 =	vgt.f32 v54, v2;
	vm3 =	vmand vm3, vm8;
	v59 =	vsel vm4, $0x3F800000, v1  }
0x5a: {  	vm10 =	veq.f32 v56, v2;
	vm3 =	vmor vm9, vm3;
	v3 =	vadd.f32 v59, v3  }
0x5b: {  	vm2 =	vmand vm2, vm10;
	vm11 =	vgt.f32 v56, v2;
	v61 =	vsel vm3, $0x3F800000, v1  }
0x5c: {  	vm12 =	veq.f32 v58, v2;
	vm2 =	vmor vm11, vm2;
	v3 =	vadd.f32 v61, v3  }
0x5d: {  	vm1 =	vmand vm1, vm12;
	vm13 =	vgt.f32 v58, v2;
	v62 =	vsel vm2, $0x3F800000, v1  }
0x5e: {  	vm14 =	veq.f32 v60, v2;
	vm1 =	vmor vm13, vm1;
	v3 =	vadd.f32 v62, v3  }
0x5f: {  	vm15 =	vgt.f32 v60, v2;
	vm0 =	vmand vm0, vm14;
	v63 =	vsel vm1, $0x3F800000, v1  }
0x60: {  	vm0 =	vmor vm15, vm0;
	v2 =	vadd.f32 v63, v3  }
0x61: {  	v3 =	vsel vm0, $0x3F800000, v1  }
0x62: {  	v2 =	vadd.f32 v3, v2;
	_ =	sdelay $0x1  }
0x63: {  	(v2sf) =	vpush v2, $0x0  }
0x64: {  	(v2sf) =	vpush v2, $0x1;
	_ =	sdelay $0x1  }
0x65: {  	(v2sf) =	vpush v2, $0x2;
	_ =	sdelay $0x1  }
0x66: {  	(v2sf) =	vpush v2, $0x3;
	_ =	sdelay $0x1  }
0x67: {  	(v2sf) =	vpush v2, $0x4;
	_ =	sdelay $0x1  }
0x68: {  	(v2sf) =	vpush v2, $0x5;
	_ =	sdelay $0x1  }
0x69: {  	(v2sf) =	vpush v2, $0x6;
	_ =	sdelay $0x1  }
0x6a: {  	(v2sf) =	vpush v2, $0x7;
	_ =	sdelay $0x1  }
0x6b: {  	s15 =	spop (v2sf);
	(v2sf) =	vpush v2, $0x8  }
0x6c: {  	s16 =	spop (v2sf)  }
0x6d: {  	(v2sf) =	vpush v2, $0x9;
	s13 =	sadd.f32 s16, s15  }
0x6e: {  	s17 =	spop (v2sf)  }
0x6f: {  	(v2sf) =	vpush v2, $0xA;
	s13 =	sadd.f32 s13, s17  }
0x70: {  	s18 =	spop (v2sf)  }
0x71: {  	(v2sf) =	vpush v2, $0xB;
	s13 =	sadd.f32 s13, s18  }
0x72: {  	s19 =	spop (v2sf)  }
0x73: {  	(v2sf) =	vpush v2, $0xC;
	s13 =	sadd.f32 s13, s19  }
0x74: {  	s20 =	spop (v2sf)  }
0x75: {  	(v2sf) =	vpush v2, $0xD;
	s13 =	sadd.f32 s13, s20  }
0x76: {  	s21 =	spop (v2sf)  }
0x77: {  	(v2sf) =	vpush v2, $0xE;
	s13 =	sadd.f32 s13, s21  }
0x78: {  	s22 =	spop (v2sf)  }
0x79: {  	(v2sf) =	vpush v2, $0xF;
	s13 =	sadd.f32 s13, s22  }
0x7a: {  	s23 =	spop (v2sf)  }
0x7b: {  	s13 =	sadd.f32 s13, s23  }
0x7c: {  	s24 =	spop (v2sf)  }
0x7d: {  	s13 =	sadd.f32 s13, s24  }
0x7e: {  	s25 =	spop (v2sf)  }
0x7f: {  	s13 =	sadd.f32 s13, s25  }
0x80: {  	s26 =	spop (v2sf)  }
0x81: {  	s13 =	sadd.f32 s13, s26  }
0x82: {  	s28 =	spop (v2sf)  }
0x83: {  	s13 =	sadd.f32 s13, s28  }
0x84: {  	s29 =	spop (v2sf)  }
0x85: {  	s13 =	sadd.f32 s13, s29  }
0x86: {  	s30 =	spop (v2sf)  }
0x87: {  	s13 =	sadd.f32 s13, s30  }
0x88: {  	s31 =	spop (v2sf)  }
0x89: {  	s13 =	sadd.f32 s13, s31  }
0x8a: {  	s12 =	sadd.s32 $0x1, s12  }
0x8b: {  	p0 =	sne.s32 s12, s6;
	v2 =	vmov s13  }
.Ltmp1:
0x8c: {  	[tilespmem:$0x8080] =	vst v2;
	(pc) =	sbr.rel @p0 .LBB2_1-.Ltmp1, $4  }
0x8d: {  	[hbm4b:s5+s2] =	stream.linear.scatter [tilespmem:s11], [sflag:$0x1], $0x80, $0x38;
	[tilespmem:$0x8180] =	vst v63  }
0x8e: {  	_ =	swait.ge [sflag:s9], $0x80  }
0x8f: {  	[sflag:s9] =	ssyncset.done $0x0  }
0x90: {  	[sflag:s9] =	ssyncadd.s32 $0xFFFFFF80  }
0x91: {  	_ =	sfence.sel $0x180000  }
0x92: {  	[bflag:$0x0] =	sbarrier.arrive $0xFFFF  }
0x93: {  	p0 =	sne.s32 s1, $0x0;
	_ =	strace $0x90000047  }
0x94: {  	s0 =	sadd.s32 @!p0 $0x100000, s0;
	[bflag:$0x2] =	sbarrier.arrive $0xFFFF  }
0x95: {  	[sflag:s0] =	ssyncadd.tile.s32 @!p0 $0x1;
	_ =	shalt  }
.Lfunc_end2:
_tile_overlayer_lowered:
.L_overlay_start_2:
0x96: {  	(tag) =	ssettag $0x2  }
0x97: {  	s0 =	rddreg [dreg:$0x0];
	s2 =	stileid.u32  }
0x98: {  	s1 =	rddreg [dreg:$0x1];
	p0 =	sne.s32 s2, $0x0  }
0x99: {  	s3 =	rddreg [dreg:$0x2];
	[bflag:$0x3] =	sbarrier.arrive $0xFFFF;
	s2 =	simm.s32 @!p0 $0x1C01  }
0x9a: {  	[timem:s3], [sflag:s2] =	dma.local @!p0 [hbm:s0], s1  }
0x9b: {  	s0 =	simm.s32 @!p0 $0x1  }
0x9c: {  	_ =	swait.ge @!p0 [sflag:s0], s1  }
0x9d: {  	s1 =	ssub.s32 @!p0 $0x0, s1;
	[sflag:s0] =	ssyncset.done @!p0 $0x0  }
0x9e: {  	[sflag:s0] =	ssyncadd.s32 @!p0 s1  }
0x9f: {  	[bflag:$0x3] =	sbarrier.arrive $0xFFFF  }
0xa0: {  	_ =	shalt  }

</sc_bundles>
